<compile_context>
chip_gen: v7x
topology: tpu7x:2x2x1
jax: 0.10.2.dev20260603
libtpu: 0.0.44.dev20260713+nightly
codegen_flags: <defaults>
</compile_context>

<pallas_src>
import jax
import jax.numpy as jnp
from jax import lax
from jax.experimental import pallas as pl
from jax.experimental.pallas import tpu as pltpu
from jax.experimental.pallas import tpu_sc as plsc

_NC = 2
_NS = 16
_NW = _NC * _NS
_D = 64
_DP = 128
_B = 16384
_V = 1_000_000
_SLABW = 256
_NSLAB = _V // _SLABW
_TAIL0 = _NSLAB * _SLABW
_SPT = -(-_NSLAB // _NW)
_SAC = _B


def _splat(x):
    return jnp.full((16,), x, jnp.int32)


def _scal(v):
    return v[0]


def _body(idx_hbm, tabT_hbm, tail_hbm, out_hbm,
          idx_v, lane_l, pos_l, slab_v, stage_v, clane, cpos2,
          sem_slab, sem_sc):
    wid = lax.axis_index("s") * _NC + lax.axis_index("c")
    sac = _SAC + wid
    slab0 = wid * _SPT
    ns = jnp.minimum(_SPT, _NSLAB - slab0)
    lo = slab0 * _SLABW
    hi = lo + ns * _SLABW
    hi_f = jnp.where(wid == _NW - 1, _V, hi)

    pltpu.sync_copy(idx_hbm, idx_v)
    iota = lax.iota(jnp.int32, 16)

    def p1(g, ptr):
        r = g >> 3
        col = (g & 7) * 16
        vec = idx_v[r, pl.ds(col, 16)]
        m = (vec >= lo) & (vec < hi_f)
        mi = m.astype(jnp.int32)
        dst = ptr + plsc.cumsum(mi) - mi
        plsc.store_scatter(lane_l, [dst], vec, mask=m)
        plsc.store_scatter(pos_l, [dst], _splat(g * 16) + iota, mask=m)
        return ptr + plsc.all_reduce_population_count(m)

    ptr = lax.fori_loop(0, (_B // 16), p1, _splat(0))
    nl = _scal(ptr)

    def slab_src(s):
        c0 = pl.multiple_of((slab0 + s) * _SLABW, 128)
        return tabT_hbm.at[:, pl.ds(c0, _SLABW)]

    @pl.when(ns > 0)
    def _():
        pltpu.async_copy(slab_src(0), slab_v.at[0], sem_slab)

    def flush(c):
        slot16 = pl.multiple_of(16 * lax.rem(c, 16), 16)
        pltpu.async_copy(
            stage_v.at[pl.ds(slot16, 16)], out_hbm.at[cpos2.at[0]], sem_sc
        ).wait()
        cpos2[0, pl.ds(0, 16)] = cpos2[1, pl.ds(0, 16)]
        clane[pl.ds(0, 16)] = clane[pl.ds(16, 16)]

    def process(c0, hi_s, sp, carry):
        ng = (nl + 15) >> 4

        def grp(g, carry):
            cs, c = carry
            lv = lane_l[pl.ds(16 * g, 16)]
            pv = pos_l[pl.ds(16 * g, 16)]
            m = (lv >= c0) & (lv < hi_s) & (iota + 16 * g < nl)
            mi = m.astype(jnp.int32)
            kv = _splat(cs) + plsc.cumsum(mi) - mi
            plsc.store_scatter(clane, [kv], lv - c0, mask=m)
            plsc.store_scatter(cpos2, [kv >> 4, kv & 15], pv, mask=m)
            cnt = _scal(plsc.all_reduce_population_count(m))

            def hit(k, _):
                lane16 = plsc.load_gather(clane, [_splat(k)])
                ovf = k >= 16
                srow = 16 * lax.rem(c + ovf.astype(jnp.int32), 16) \
                    + lax.rem(k, 16)
                for r in range(4):
                    g16 = plsc.load_gather(
                        slab_v, [_splat(sp), iota + 16 * r, lane16]
                    )
                    stage_v[srow, pl.ds(16 * r, 16)] = g16
                return 0

            lax.fori_loop(cs, cs + cnt, hit, 0)
            ncs = cs + cnt
            full = ncs >= 16

            @pl.when(full)
            def _():
                flush(c)

            return (jnp.where(full, ncs - 16, ncs),
                    jnp.where(full, c + 1, c))

        return lax.fori_loop(0, ng, grp, carry)

    def slab_step(s, carry):
        @pl.when(s + 1 < ns)
        def _():
            pltpu.async_copy(slab_src(s + 1), slab_v.at[lax.rem(s + 1, 2)],
                             sem_slab)
        pltpu.make_async_copy(slab_src(s), slab_v.at[lax.rem(s, 2)],
                              sem_slab).wait()
        c0 = (slab0 + s) * _SLABW
        return process(c0, c0 + _SLABW, lax.rem(s, 2), carry)

    carry = lax.fori_loop(0, ns, slab_step, (jnp.int32(0), jnp.int32(0)))

    pltpu.sync_copy(tail_hbm, slab_v.at[0, :, pl.ds(0, _DP)])
    carry = process(jnp.int32(_TAIL0), jnp.int32(_V), jnp.int32(0), carry)
    cs, c = carry

    @pl.when(cs > 0)
    def _():
        row = cpos2[0, pl.ds(0, 16)]
        cpos2[0, pl.ds(0, 16)] = jnp.where(iota < cs, row, _splat(sac))
        flush(c)




def kernel(user_inputs, userEmbedding_weight):
    idx = user_inputs.astype(jnp.int32).reshape(128, 128)
    tabT = userEmbedding_weight.T
    tail = jnp.pad(userEmbedding_weight[_TAIL0:].T, ((0, 0), (0, _DP - _D)))
    mesh = plsc.VectorSubcoreMesh(core_axis_name="c", subcore_axis_name="s")
    f = pl.kernel(
        _body,
        out_type=jax.ShapeDtypeStruct((_B + 128, _DP), jnp.float32),
        mesh=mesh,
        compiler_params=pltpu.CompilerParams(needs_layout_passes=False),
        scratch_types=[
            pltpu.VMEM((128, 128), jnp.int32),
            pltpu.VMEM((_B,), jnp.int32),
            pltpu.VMEM((_B,), jnp.int32),
            pltpu.VMEM((2, _D, _SLABW), jnp.float32),
            pltpu.VMEM((256, _DP), jnp.float32),
            pltpu.VMEM((32,), jnp.int32),
            pltpu.VMEM((2, 16), jnp.int32),
            pltpu.SemaphoreType.DMA,
            pltpu.SemaphoreType.DMA,
        ],
    )
    outp = f(idx, tabT, tail)
    return outp[:_B, :_D]

# --- scband reference (transcript-rebuilt; emitter-appended) ---
"""Pipeline reference for scband-user-embedding-layer-86131274154489 (READ-ONLY COPY).

The authoritative reference and input builder live on the scoring server;
editing this copy changes nothing except your own understanding.
"""

import jax, jax.numpy as jnp
import numpy as np

NUM_USERS = 1000000
EMBED_DIM = 64
BATCH = 16384

def setup_inputs(seed: int = 0) -> dict:
    key = jax.random.key(seed)
    k_idx, k_tab = jax.random.split(key)
    user_inputs = jax.random.randint(k_idx, (BATCH,), 0, NUM_USERS, dtype=jnp.int64 if jax.config.jax_enable_x64 else jnp.int32)
    # nn.Embedding default init: N(0, 1)
    userEmbedding_weight = jax.random.normal(k_tab, (NUM_USERS, EMBED_DIM), dtype=jnp.float32)
    return {"user_inputs": user_inputs, "userEmbedding_weight": userEmbedding_weight}

def reference(user_inputs, userEmbedding_weight):
    # UserEmbeddingLayer.forward: embedding lookup
    user_embeds = jnp.take(userEmbedding_weight, user_inputs, axis=0)
    return user_embeds

if __name__ == "__main__":
    import jax
    _d = setup_inputs()
    print(jax.jit(kernel)(*tuple(_d.values())))

</pallas_src>

<mosaic_0001>
#map = affine_map<(d0, d1) -> (0, 0)>
module attributes {stable_mosaic.version = 14 : i64} {
  func.func @_body(%arg0: i32, %arg1: i32, %arg2: memref<128x128xi32, #tpu.memory_space<hbm>>, %arg3: memref<64x1000000xf32, #tpu.memory_space<hbm>>, %arg4: memref<64x128xf32, #tpu.memory_space<hbm>>, %arg5: memref<16512x128xf32, #tpu.memory_space<hbm>>, %arg6: memref<128x128xi32, #tpu.memory_space<vmem>>, %arg7: memref<16384xi32, #tpu.memory_space<vmem>>, %arg8: memref<16384xi32, #tpu.memory_space<vmem>>, %arg9: memref<2x64x256xf32, #tpu.memory_space<vmem>>, %arg10: memref<256x128xf32, #tpu.memory_space<vmem>>, %arg11: memref<32xi32, #tpu.memory_space<vmem>>, %arg12: memref<2x16xi32, #tpu.memory_space<vmem>>, %arg13: memref<!tpu.dma_semaphore, #tpu.memory_space<semaphore_mem>>, %arg14: memref<!tpu.dma_semaphore, #tpu.memory_space<semaphore_mem>>) attributes {dimension_semantics = [#tpu.dimension_semantics<core_parallel>, #tpu.dimension_semantics<subcore_parallel>], iteration_bounds = array<i64: 2, 16>, scalar_prefetch = 0 : i64, scratch_operands = 9 : i64, tpu.core_type = #tpu.core_type<sc_vector_subcore>, window_params = [{transform_indices = #map}, {transform_indices = #map}, {transform_indices = #map}, {transform_indices = #map}]} {
    %mul3A = arith.constant 2 : i32
    %mul3A_0 = arith.muli %arg1, %mul3A : i32
    %add3A = arith.addi %mul3A_0, %arg0 : i32
    %add3A_1 = arith.constant 16384 : i32
    %add3A_2 = arith.addi %add3A_1, %add3A : i32
    %mul3A_3 = arith.constant 123 : i32
    %mul3A_4 = arith.muli %add3A, %mul3A_3 : i32
    %sub3A = arith.constant 3906 : i32
    %sub3A_5 = arith.subi %sub3A, %mul3A_4 : i32
    %min3A = arith.constant 123 : i32
    %min3A_6 = arith.minsi %min3A, %sub3A_5 : i32
    %mul3A_7 = arith.constant 256 : i32
    %mul3A_8 = arith.muli %mul3A_4, %mul3A_7 : i32
    %mul3A_9 = arith.constant 256 : i32
    %mul3A_10 = arith.muli %min3A_6, %mul3A_9 : i32
    %add3A_11 = arith.addi %mul3A_8, %mul3A_10 : i32
    %eq3A = arith.constant 31 : i32
    %eq3A_12 = arith.cmpi eq, %add3A, %eq3A : i32
    %jit3A = arith.constant 1000000 : i32
    %select_n3A = arith.select %eq3A_12, %jit3A, %add3A_11 : i32
    "tpu.region"() ({
      %run_scoped3A_55 = tpu.sem_alloc : memref<!tpu.dma_semaphore, #tpu.memory_space<semaphore_mem>>
      tpu.enqueue_dma source(%arg2 : memref<128x128xi32, #tpu.memory_space<hbm>>) target(%arg6 : memref<128x128xi32, #tpu.memory_space<vmem>>) target_semaphore(%run_scoped3A_55 : memref<!tpu.dma_semaphore, #tpu.memory_space<semaphore_mem>>)
      tpu.wait_dma2 semaphore(%run_scoped3A_55 : memref<!tpu.dma_semaphore, #tpu.memory_space<semaphore_mem>>) src(%arg2 : memref<128x128xi32, #tpu.memory_space<hbm>>) dst(%arg6 : memref<128x128xi32, #tpu.memory_space<vmem>>)
      tpu.yield
    }) : () -> ()
    %iota3A = tpu.iota {dimensions = array<i32: 0>} : vector<16xi32>
    %broadcast_in_dim3A = arith.constant 0 : i32
    %broadcast_in_dim3A_13 = vector.broadcast %broadcast_in_dim3A : i32 to vector<16xi32>
    %scan3A = arith.constant 0 : i32
    %scan3A_14 = arith.constant 1024 : i32
    %scan3A_15 = arith.addi %scan3A, %scan3A_14 : i32
    %scan3A_16 = arith.constant 1 : i32
    %scan3A_17 = scf.for %scan3A_55 = %scan3A to %scan3A_15 step %scan3A_16 iter_args(%scan3A_56 = %broadcast_in_dim3A_13) -> (vector<16xi32>)  : i32 {
      %shift_right_arithmetic3A_57 = arith.constant 3 : i32
      %shift_right_arithmetic3A_58 = arith.shrsi %scan3A_55, %shift_right_arithmetic3A_57 : i32
      %and3A = arith.constant 7 : i32
      %and3A_59 = arith.andi %scan3A_55, %and3A : i32
      %mul3A_60 = arith.constant 16 : i32
      %mul3A_61 = arith.muli %and3A_59, %mul3A_60 : i32
      %get3A = arith.index_cast %shift_right_arithmetic3A_58 : i32 to index
      %get3A_62 = arith.index_cast %mul3A_61 : i32 to index
      %get3A_63 = tpu.vector_load %arg6[%get3A, %get3A_62] {strides = array<i32>} : memref<128x128xi32, #tpu.memory_space<vmem>>, vector<16xi32>,
      %ge3A = vector.broadcast %mul3A_8 : i32 to vector<16xi32>
      %ge3A_64 = arith.cmpi sge, %get3A_63, %ge3A : vector<16xi32>
      %lt3A = vector.broadcast %select_n3A : i32 to vector<16xi32>
      %lt3A_65 = arith.cmpi slt, %get3A_63, %lt3A : vector<16xi32>
      %and3A_66 = arith.andi %ge3A_64, %lt3A_65 : vector<16xi1>
      %convert_element_type3A_67 = arith.extui %and3A_66 : vector<16xi1> to vector<16xi32>
      %broadcast_in_dim3A_68 = arith.constant true
      %broadcast_in_dim3A_69 = vector.broadcast %broadcast_in_dim3A_68 : i1 to vector<16xi1>
      %masked_cumsum3A = tpu.scan <sum>, %convert_element_type3A_67 masked %broadcast_in_dim3A_69 : vector<16xi32>, vector<16xi1> -> vector<16xi32>
      %add3A_70 = arith.addi %scan3A_56, %masked_cumsum3A : vector<16xi32>
      %sub3A_71 = arith.subi %add3A_70, %convert_element_type3A_67 : vector<16xi32>
      tpu.vector_store_idx %arg7[%sub3A_71], %get3A_63 masked %and3A_66 : memref<16384xi32, #tpu.memory_space<vmem>>[vector<16xi32>], vector<16xi32>, vector<16xi1>
      %mul3A_72 = arith.constant 16 : i32
      %mul3A_73 = arith.muli %scan3A_55, %mul3A_72 : i32
      %broadcast_in_dim3A_74 = vector.broadcast %mul3A_73 : i32 to vector<16xi32>
      %add3A_75 = arith.addi %broadcast_in_dim3A_74, %iota3A : vector<16xi32>
      tpu.vector_store_idx %arg8[%sub3A_71], %add3A_75 masked %and3A_66 : memref<16384xi32, #tpu.memory_space<vmem>>[vector<16xi32>], vector<16xi32>, vector<16xi1>
      %all_reduce_population_count3A = tpu.all_reduce %and3A_66 {dim = 0 : i64, kind = #tpu.reduction_kind<sum>} : vector<16xi1> -> vector<16xi32>
      %add3A_76 = arith.addi %scan3A_56, %all_reduce_population_count3A : vector<16xi32>
      scf.yield %add3A_76 : vector<16xi32>
    }
    %scan3A_18 = arith.constant 1024 : i32
    %slice3A = vector.extract_strided_slice %scan3A_17 {offsets = [0], sizes = [1], strides = [1]} : vector<16xi32> to vector<1xi32>
    %squeeze3A = vector.extract %slice3A[0] : i32 from vector<1xi32>
    %gt3A = arith.constant 0 : i32
    %gt3A_19 = arith.cmpi sgt, %min3A_6, %gt3A : i32
    %convert_element_type3A = arith.extui %gt3A_19 : i1 to i32
    %cond3A = arith.constant 0 : i32
    %cond3A_20 = arith.cmpi ne, %convert_element_type3A, %cond3A : i32
    scf.if %cond3A_20 {
      %add3A_55 = arith.constant 0 : i32
      %add3A_56 = arith.addi %mul3A_4, %add3A_55 : i32
      %mul3A_57 = arith.constant 256 : i32
      %mul3A_58 = arith.muli %add3A_56, %mul3A_57 : i32
      %multiple_of3A = tpu.assume_multiple %mul3A_58, 128 : i32
      %dma_start3A = arith.constant 0 : i32
      %dma_start3A_59 = arith.constant 0 : i32
      %dma_start3A_60 = arith.constant 0 : i32
      %dma_start3A_61 = tpu.memref_slice %arg9[%dma_start3A, %dma_start3A_59, %dma_start3A_60] : memref<2x64x256xf32, #tpu.memory_space<vmem>> -> memref<1x64x256xf32, #tpu.memory_space<vmem>>
      %dma_start3A_62 = tpu.memref_squeeze %dma_start3A_61 : memref<1x64x256xf32, #tpu.memory_space<vmem>> -> memref<64x256xf32, #tpu.memory_space<vmem>>
      %dma_start3A_63 = arith.constant 0 : i32
      %dma_start3A_64 = tpu.memref_slice %arg3[%dma_start3A_63, %multiple_of3A] : memref<64x1000000xf32, #tpu.memory_space<hbm>> -> memref<64x256xf32, #tpu.memory_space<hbm>>
      %dma_start3A_65 = arith.constant 0 : i32
      %dma_start3A_66 = arith.constant 0 : i32
      %dma_start3A_67 = tpu.memref_slice %arg9[%dma_start3A, %dma_start3A_65, %dma_start3A_66] : memref<2x64x256xf32, #tpu.memory_space<vmem>> -> memref<1x64x256xf32, #tpu.memory_space<vmem>>
      %dma_start3A_68 = tpu.memref_squeeze %dma_start3A_67 : memref<1x64x256xf32, #tpu.memory_space<vmem>> -> memref<64x256xf32, #tpu.memory_space<vmem>>
      %dma_start3A_69 = arith.constant 0 : i32
      %dma_start3A_70 = tpu.memref_slice %arg3[%dma_start3A_69, %multiple_of3A] : memref<64x1000000xf32, #tpu.memory_space<hbm>> -> memref<64x256xf32, #tpu.memory_space<hbm>>
      tpu.enqueue_dma source(%dma_start3A_70 : memref<64x256xf32, #tpu.memory_space<hbm>>) target(%dma_start3A_68 : memref<64x256xf32, #tpu.memory_space<vmem>>) target_semaphore(%arg13 : memref<!tpu.dma_semaphore, #tpu.memory_space<semaphore_mem>>)
    } else {
    }
    %while3A = arith.constant 0 : i32
    %while3A_21 = arith.constant 0 : i32
    %while3A_22 = arith.constant 0 : i32
    %while3A_23 = arith.subi %min3A_6, %while3A : i32
    %while3A_24 = arith.addi %while3A, %while3A_23 : i32
    %while3A_25 = arith.constant 1 : i32
    %while3A_26 = arith.divsi %while3A_23, %while3A_25 : i32
    %while3A_27 = arith.muli %while3A_26, %while3A_25 : i32
    %while3A_28 = arith.addi %while3A, %while3A_27 : i32
    %while3A_29 = arith.constant 1 : i32
    %while3A_30:2 = scf.for %while3A_55 = %while3A to %while3A_28 step %while3A_29 iter_args(%while3A_56 = %while3A_21, %while3A_57 = %while3A_22) -> (i32, i32)  : i32 {
      %add3A_58 = arith.constant 1 : i32
      %add3A_59 = arith.addi %while3A_55, %add3A_58 : i32
      %lt3A = arith.cmpi slt, %add3A_59, %min3A_6 : i32
      %convert_element_type3A_60 = arith.extui %lt3A : i1 to i32
      %cond3A_61 = arith.constant 0 : i32
      %cond3A_62 = arith.cmpi ne, %convert_element_type3A_60, %cond3A_61 : i32
      scf.if %cond3A_62 {
        %add3A_100 = arith.constant 1 : i32
        %add3A_101 = arith.addi %while3A_55, %add3A_100 : i32
        %add3A_102 = arith.addi %mul3A_4, %add3A_101 : i32
        %mul3A_103 = arith.constant 256 : i32
        %mul3A_104 = arith.muli %add3A_102, %mul3A_103 : i32
        %multiple_of3A_105 = tpu.assume_multiple %mul3A_104, 128 : i32
        %add3A_106 = arith.constant 1 : i32
        %add3A_107 = arith.addi %while3A_55, %add3A_106 : i32
        %rem3A_108 = arith.constant 2 : i32
        %rem3A_109 = arith.remsi %add3A_107, %rem3A_108 : i32
        %dma_start3A = arith.constant 0 : i32
        %dma_start3A_110 = arith.constant 0 : i32
        %dma_start3A_111 = tpu.memref_slice %arg9[%rem3A_109, %dma_start3A, %dma_start3A_110] : memref<2x64x256xf32, #tpu.memory_space<vmem>> -> memref<1x64x256xf32, #tpu.memory_space<vmem>>
        %dma_start3A_112 = tpu.memref_squeeze %dma_start3A_111 : memref<1x64x256xf32, #tpu.memory_space<vmem>> -> memref<64x256xf32, #tpu.memory_space<vmem>>
        %dma_start3A_113 = arith.constant 0 : i32
        %dma_start3A_114 = tpu.memref_slice %arg3[%dma_start3A_113, %multiple_of3A_105] : memref<64x1000000xf32, #tpu.memory_space<hbm>> -> memref<64x256xf32, #tpu.memory_space<hbm>>
        %dma_start3A_115 = arith.constant 0 : i32
        %dma_start3A_116 = arith.constant 0 : i32
        %dma_start3A_117 = tpu.memref_slice %arg9[%rem3A_109, %dma_start3A_115, %dma_start3A_116] : memref<2x64x256xf32, #tpu.memory_space<vmem>> -> memref<1x64x256xf32, #tpu.memory_space<vmem>>
        %dma_start3A_118 = tpu.memref_squeeze %dma_start3A_117 : memref<1x64x256xf32, #tpu.memory_space<vmem>> -> memref<64x256xf32, #tpu.memory_space<vmem>>
        %dma_start3A_119 = arith.constant 0 : i32
        %dma_start3A_120 = tpu.memref_slice %arg3[%dma_start3A_119, %multiple_of3A_105] : memref<64x1000000xf32, #tpu.memory_space<hbm>> -> memref<64x256xf32, #tpu.memory_space<hbm>>
        tpu.enqueue_dma source(%dma_start3A_120 : memref<64x256xf32, #tpu.memory_space<hbm>>) target(%dma_start3A_118 : memref<64x256xf32, #tpu.memory_space<vmem>>) target_semaphore(%arg13 : memref<!tpu.dma_semaphore, #tpu.memory_space<semaphore_mem>>)
      } else {
      }
      %add3A_63 = arith.addi %mul3A_4, %while3A_55 : i32
      %mul3A_64 = arith.constant 256 : i32
      %mul3A_65 = arith.muli %add3A_63, %mul3A_64 : i32
      %multiple_of3A = tpu.assume_multiple %mul3A_65, 128 : i32
      %rem3A = arith.constant 2 : i32
      %rem3A_66 = arith.remsi %while3A_55, %rem3A : i32
      %dma_wait3A = arith.constant 0 : i32
      %dma_wait3A_67 = arith.constant 0 : i32
      %dma_wait3A_68 = tpu.memref_slice %arg9[%rem3A_66, %dma_wait3A, %dma_wait3A_67] : memref<2x64x256xf32, #tpu.memory_space<vmem>> -> memref<1x64x256xf32, #tpu.memory_space<vmem>>
      %dma_wait3A_69 = tpu.memref_squeeze %dma_wait3A_68 : memref<1x64x256xf32, #tpu.memory_space<vmem>> -> memref<64x256xf32, #tpu.memory_space<vmem>>
      %dma_wait3A_70 = arith.constant 0 : i32
      %dma_wait3A_71 = tpu.memref_slice %arg3[%dma_wait3A_70, %multiple_of3A] : memref<64x1000000xf32, #tpu.memory_space<hbm>> -> memref<64x256xf32, #tpu.memory_space<hbm>>
      %dma_wait3A_72 = arith.constant 0 : i32
      %dma_wait3A_73 = arith.constant 0 : i32
      %dma_wait3A_74 = tpu.memref_slice %arg9[%rem3A_66, %dma_wait3A_72, %dma_wait3A_73] : memref<2x64x256xf32, #tpu.memory_space<vmem>> -> memref<1x64x256xf32, #tpu.memory_space<vmem>>
      %dma_wait3A_75 = tpu.memref_squeeze %dma_wait3A_74 : memref<1x64x256xf32, #tpu.memory_space<vmem>> -> memref<64x256xf32, #tpu.memory_space<vmem>>
      %dma_wait3A_76 = arith.constant 0 : i32
      %dma_wait3A_77 = tpu.memref_slice %arg3[%dma_wait3A_76, %multiple_of3A] : memref<64x1000000xf32, #tpu.memory_space<hbm>> -> memref<64x256xf32, #tpu.memory_space<hbm>>
      tpu.wait_dma2 semaphore(%arg13 : memref<!tpu.dma_semaphore, #tpu.memory_space<semaphore_mem>>) src(%dma_wait3A_77 : memref<64x256xf32, #tpu.memory_space<hbm>>) dst(%dma_wait3A_75 : memref<64x256xf32, #tpu.memory_space<vmem>>)
      %add3A_78 = arith.addi %mul3A_4, %while3A_55 : i32
      %mul3A_79 = arith.constant 256 : i32
      %mul3A_80 = arith.muli %add3A_78, %mul3A_79 : i32
      %add3A_81 = arith.constant 256 : i32
      %add3A_82 = arith.addi %mul3A_80, %add3A_81 : i32
      %rem3A_83 = arith.constant 2 : i32
      %rem3A_84 = arith.remsi %while3A_55, %rem3A_83 : i32
      %add3A_85 = arith.constant 15 : i32
      %add3A_86 = arith.addi %squeeze3A, %add3A_85 : i32
      %shift_right_arithmetic3A_87 = arith.constant 4 : i32
      %shift_right_arithmetic3A_88 = arith.shrsi %add3A_86, %shift_right_arithmetic3A_87 : i32
      %while3A_89 = arith.constant 0 : i32
      %while3A_90 = arith.subi %shift_right_arithmetic3A_88, %while3A_89 : i32
      %while3A_91 = arith.addi %while3A_89, %while3A_90 : i32
      %while3A_92 = arith.constant 1 : i32
      %while3A_93 = arith.divsi %while3A_90, %while3A_92 : i32
      %while3A_94 = arith.muli %while3A_93, %while3A_92 : i32
      %while3A_95 = arith.addi %while3A_89, %while3A_94 : i32
      %while3A_96 = arith.constant 1 : i32
      %while3A_97:2 = scf.for %while3A_100 = %while3A_89 to %while3A_95 step %while3A_96 iter_args(%while3A_101 = %while3A_56, %while3A_102 = %while3A_57) -> (i32, i32)  : i32 {
        %mul3A_103 = arith.constant 16 : i32
        %mul3A_104 = arith.muli %mul3A_103, %while3A_100 : i32
        %get3A = arith.index_cast %mul3A_104 : i32 to index
        %get3A_105 = tpu.vector_load %arg7[%get3A] {strides = array<i32>} : memref<16384xi32, #tpu.memory_space<vmem>>, vector<16xi32>,
        %mul3A_106 = arith.constant 16 : i32
        %mul3A_107 = arith.muli %mul3A_106, %while3A_100 : i32
        %get3A_108 = arith.index_cast %mul3A_107 : i32 to index
        %get3A_109 = tpu.vector_load %arg8[%get3A_108] {strides = array<i32>} : memref<16384xi32, #tpu.memory_space<vmem>>, vector<16xi32>,
        %ge3A = vector.broadcast %mul3A_80 : i32 to vector<16xi32>
        %ge3A_110 = arith.cmpi sge, %get3A_105, %ge3A : vector<16xi32>
        %lt3A_111 = vector.broadcast %add3A_82 : i32 to vector<16xi32>
        %lt3A_112 = arith.cmpi slt, %get3A_105, %lt3A_111 : vector<16xi32>
        %and3A = arith.andi %ge3A_110, %lt3A_112 : vector<16xi1>
        %mul3A_113 = arith.constant 16 : i32
        %mul3A_114 = arith.muli %mul3A_113, %while3A_100 : i32
        %add3A_115 = vector.broadcast %mul3A_114 : i32 to vector<16xi32>
        %add3A_116 = arith.addi %iota3A, %add3A_115 : vector<16xi32>
        %lt3A_117 = vector.broadcast %squeeze3A : i32 to vector<16xi32>
        %lt3A_118 = arith.cmpi slt, %add3A_116, %lt3A_117 : vector<16xi32>
        %and3A_119 = arith.andi %and3A, %lt3A_118 : vector<16xi1>
        %convert_element_type3A_120 = arith.extui %and3A_119 : vector<16xi1> to vector<16xi32>
        %broadcast_in_dim3A_121 = vector.broadcast %while3A_101 : i32 to vector<16xi32>
        %broadcast_in_dim3A_122 = arith.constant true
        %broadcast_in_dim3A_123 = vector.broadcast %broadcast_in_dim3A_122 : i1 to vector<16xi1>
        %masked_cumsum3A = tpu.scan <sum>, %convert_element_type3A_120 masked %broadcast_in_dim3A_123 : vector<16xi32>, vector<16xi1> -> vector<16xi32>
        %add3A_124 = arith.addi %broadcast_in_dim3A_121, %masked_cumsum3A : vector<16xi32>
        %sub3A_125 = arith.subi %add3A_124, %convert_element_type3A_120 : vector<16xi32>
        %sub3A_126 = vector.broadcast %mul3A_80 : i32 to vector<16xi32>
        %sub3A_127 = arith.subi %get3A_105, %sub3A_126 : vector<16xi32>
        tpu.vector_store_idx %arg11[%sub3A_125], %sub3A_127 masked %and3A_119 : memref<32xi32, #tpu.memory_space<vmem>>[vector<16xi32>], vector<16xi32>, vector<16xi1>
        %shift_right_arithmetic3A_128 = arith.constant 4 : i32
        %shift_right_arithmetic3A_129 = vector.broadcast %shift_right_arithmetic3A_128 : i32 to vector<16xi32>
        %shift_right_arithmetic3A_130 = arith.shrsi %sub3A_125, %shift_right_arithmetic3A_129 : vector<16xi32>
        %and3A_131 = arith.constant 15 : i32
        %and3A_132 = vector.broadcast %and3A_131 : i32 to vector<16xi32>
        %and3A_133 = arith.andi %sub3A_125, %and3A_132 : vector<16xi32>
        tpu.vector_store_idx %arg12[%shift_right_arithmetic3A_130, %and3A_133], %get3A_109 masked %and3A_119 : memref<2x16xi32, #tpu.memory_space<vmem>>[vector<16xi32>, vector<16xi32>], vector<16xi32>, vector<16xi1>
        %all_reduce_population_count3A = tpu.all_reduce %and3A_119 {dim = 0 : i64, kind = #tpu.reduction_kind<sum>} : vector<16xi1> -> vector<16xi32>
        %slice3A_134 = vector.extract_strided_slice %all_reduce_population_count3A {offsets = [0], sizes = [1], strides = [1]} : vector<16xi32> to vector<1xi32>
        %squeeze3A_135 = vector.extract %slice3A_134[0] : i32 from vector<1xi32>
        %add3A_136 = arith.addi %while3A_101, %squeeze3A_135 : i32
        %while3A_137 = arith.constant 0 : i32
        %while3A_138 = arith.subi %add3A_136, %while3A_101 : i32
        %while3A_139 = arith.addi %while3A_101, %while3A_138 : i32
        %while3A_140 = arith.constant 1 : i32
        %while3A_141 = arith.divsi %while3A_138, %while3A_140 : i32
        %while3A_142 = arith.muli %while3A_141, %while3A_140 : i32
        %while3A_143 = arith.addi %while3A_101, %while3A_142 : i32
        %while3A_144 = arith.constant 1 : i32
        %while3A_145 = scf.for %while3A_160 = %while3A_101 to %while3A_143 step %while3A_144 iter_args(%while3A_161 = %while3A_137) -> (i32)  : i32 {
          %broadcast_in_dim3A_162 = vector.broadcast %while3A_160 : i32 to vector<16xi32>
          %gather3A = tpu.vector_load_idx %arg11[%broadcast_in_dim3A_162] : memref<32xi32, #tpu.memory_space<vmem>>[vector<16xi32>], vector<16xi32>,
          %ge3A_163 = arith.constant 16 : i32
          %ge3A_164 = arith.cmpi sge, %while3A_160, %ge3A_163 : i32
          %convert_element_type3A_165 = arith.extui %ge3A_164 : i1 to i32
          %add3A_166 = arith.addi %while3A_102, %convert_element_type3A_165 : i32
          %rem3A_167 = arith.constant 16 : i32
          %rem3A_168 = arith.remsi %add3A_166, %rem3A_167 : i32
          %mul3A_169 = arith.constant 16 : i32
          %mul3A_170 = arith.muli %mul3A_169, %rem3A_168 : i32
          %rem3A_171 = arith.constant 16 : i32
          %rem3A_172 = arith.remsi %while3A_160, %rem3A_171 : i32
          %add3A_173 = arith.addi %mul3A_170, %rem3A_172 : i32
          %broadcast_in_dim3A_174 = vector.broadcast %rem3A_84 : i32 to vector<16xi32>
          %add3A_175 = arith.constant 0 : i32
          %add3A_176 = vector.broadcast %add3A_175 : i32 to vector<16xi32>
          %add3A_177 = arith.addi %iota3A, %add3A_176 : vector<16xi32>
          %gather3A_178 = tpu.vector_load_idx %arg9[%broadcast_in_dim3A_174, %add3A_177, %gather3A] : memref<2x64x256xf32, #tpu.memory_space<vmem>>[vector<16xi32>, vector<16xi32>, vector<16xi32>], vector<16xf32>,
          %swap3A = arith.index_cast %add3A_173 : i32 to index
          %swap3A_179 = arith.constant 0 : index
          %swap3A_180 = tpu.vector_load %arg10[%swap3A, %swap3A_179] {strides = array<i32>} : memref<256x128xf32, #tpu.memory_space<vmem>>, vector<16xf32>,
          tpu.vector_store %arg10[%swap3A, %swap3A_179], %gather3A_178 {strides = array<i32>} : memref<256x128xf32, #tpu.memory_space<vmem>>, vector<16xf32>,
          %broadcast_in_dim3A_181 = vector.broadcast %rem3A_84 : i32 to vector<16xi32>
          %add3A_182 = arith.constant 16 : i32
          %add3A_183 = vector.broadcast %add3A_182 : i32 to vector<16xi32>
          %add3A_184 = arith.addi %iota3A, %add3A_183 : vector<16xi32>
          %gather3A_185 = tpu.vector_load_idx %arg9[%broadcast_in_dim3A_181, %add3A_184, %gather3A] : memref<2x64x256xf32, #tpu.memory_space<vmem>>[vector<16xi32>, vector<16xi32>, vector<16xi32>], vector<16xf32>,
          %swap3A_186 = arith.index_cast %add3A_173 : i32 to index
          %swap3A_187 = arith.constant 16 : index
          %swap3A_188 = tpu.vector_load %arg10[%swap3A_186, %swap3A_187] {strides = array<i32>} : memref<256x128xf32, #tpu.memory_space<vmem>>, vector<16xf32>,
          tpu.vector_store %arg10[%swap3A_186, %swap3A_187], %gather3A_185 {strides = array<i32>} : memref<256x128xf32, #tpu.memory_space<vmem>>, vector<16xf32>,
          %broadcast_in_dim3A_189 = vector.broadcast %rem3A_84 : i32 to vector<16xi32>
          %add3A_190 = arith.constant 32 : i32
          %add3A_191 = vector.broadcast %add3A_190 : i32 to vector<16xi32>
          %add3A_192 = arith.addi %iota3A, %add3A_191 : vector<16xi32>
          %gather3A_193 = tpu.vector_load_idx %arg9[%broadcast_in_dim3A_189, %add3A_192, %gather3A] : memref<2x64x256xf32, #tpu.memory_space<vmem>>[vector<16xi32>, vector<16xi32>, vector<16xi32>], vector<16xf32>,
          %swap3A_194 = arith.index_cast %add3A_173 : i32 to index
          %swap3A_195 = arith.constant 32 : index
          %swap3A_196 = tpu.vector_load %arg10[%swap3A_194, %swap3A_195] {strides = array<i32>} : memref<256x128xf32, #tpu.memory_space<vmem>>, vector<16xf32>,
          tpu.vector_store %arg10[%swap3A_194, %swap3A_195], %gather3A_193 {strides = array<i32>} : memref<256x128xf32, #tpu.memory_space<vmem>>, vector<16xf32>,
          %broadcast_in_dim3A_197 = vector.broadcast %rem3A_84 : i32 to vector<16xi32>
          %add3A_198 = arith.constant 48 : i32
          %add3A_199 = vector.broadcast %add3A_198 : i32 to vector<16xi32>
          %add3A_200 = arith.addi %iota3A, %add3A_199 : vector<16xi32>
          %gather3A_201 = tpu.vector_load_idx %arg9[%broadcast_in_dim3A_197, %add3A_200, %gather3A] : memref<2x64x256xf32, #tpu.memory_space<vmem>>[vector<16xi32>, vector<16xi32>, vector<16xi32>], vector<16xf32>,
          %swap3A_202 = arith.index_cast %add3A_173 : i32 to index
          %swap3A_203 = arith.constant 48 : index
          %swap3A_204 = tpu.vector_load %arg10[%swap3A_202, %swap3A_203] {strides = array<i32>} : memref<256x128xf32, #tpu.memory_space<vmem>>, vector<16xf32>,
          tpu.vector_store %arg10[%swap3A_202, %swap3A_203], %gather3A_201 {strides = array<i32>} : memref<256x128xf32, #tpu.memory_space<vmem>>, vector<16xf32>,
          %while3A_205 = arith.constant 0 : i32
          scf.yield %while3A_205 : i32
        }
        %while3A_146 = arith.constant 1 : i32
        %while3A_147 = scf.for %while3A_160 = %while3A_143 to %while3A_139 step %while3A_146 iter_args(%while3A_161 = %while3A_145) -> (i32)  : i32 {
          %broadcast_in_dim3A_162 = vector.broadcast %while3A_160 : i32 to vector<16xi32>
          %gather3A = tpu.vector_load_idx %arg11[%broadcast_in_dim3A_162] : memref<32xi32, #tpu.memory_space<vmem>>[vector<16xi32>], vector<16xi32>,
          %ge3A_163 = arith.constant 16 : i32
          %ge3A_164 = arith.cmpi sge, %while3A_160, %ge3A_163 : i32
          %convert_element_type3A_165 = arith.extui %ge3A_164 : i1 to i32
          %add3A_166 = arith.addi %while3A_102, %convert_element_type3A_165 : i32
          %rem3A_167 = arith.constant 16 : i32
          %rem3A_168 = arith.remsi %add3A_166, %rem3A_167 : i32
          %mul3A_169 = arith.constant 16 : i32
          %mul3A_170 = arith.muli %mul3A_169, %rem3A_168 : i32
          %rem3A_171 = arith.constant 16 : i32
          %rem3A_172 = arith.remsi %while3A_160, %rem3A_171 : i32
          %add3A_173 = arith.addi %mul3A_170, %rem3A_172 : i32
          %broadcast_in_dim3A_174 = vector.broadcast %rem3A_84 : i32 to vector<16xi32>
          %add3A_175 = arith.constant 0 : i32
          %add3A_176 = vector.broadcast %add3A_175 : i32 to vector<16xi32>
          %add3A_177 = arith.addi %iota3A, %add3A_176 : vector<16xi32>
          %gather3A_178 = tpu.vector_load_idx %arg9[%broadcast_in_dim3A_174, %add3A_177, %gather3A] : memref<2x64x256xf32, #tpu.memory_space<vmem>>[vector<16xi32>, vector<16xi32>, vector<16xi32>], vector<16xf32>,
          %swap3A = arith.index_cast %add3A_173 : i32 to index
          %swap3A_179 = arith.constant 0 : index
          %swap3A_180 = tpu.vector_load %arg10[%swap3A, %swap3A_179] {strides = array<i32>} : memref<256x128xf32, #tpu.memory_space<vmem>>, vector<16xf32>,
          tpu.vector_store %arg10[%swap3A, %swap3A_179], %gather3A_178 {strides = array<i32>} : memref<256x128xf32, #tpu.memory_space<vmem>>, vector<16xf32>,
          %broadcast_in_dim3A_181 = vector.broadcast %rem3A_84 : i32 to vector<16xi32>
          %add3A_182 = arith.constant 16 : i32
          %add3A_183 = vector.broadcast %add3A_182 : i32 to vector<16xi32>
          %add3A_184 = arith.addi %iota3A, %add3A_183 : vector<16xi32>
          %gather3A_185 = tpu.vector_load_idx %arg9[%broadcast_in_dim3A_181, %add3A_184, %gather3A] : memref<2x64x256xf32, #tpu.memory_space<vmem>>[vector<16xi32>, vector<16xi32>, vector<16xi32>], vector<16xf32>,
          %swap3A_186 = arith.index_cast %add3A_173 : i32 to index
          %swap3A_187 = arith.constant 16 : index
          %swap3A_188 = tpu.vector_load %arg10[%swap3A_186, %swap3A_187] {strides = array<i32>} : memref<256x128xf32, #tpu.memory_space<vmem>>, vector<16xf32>,
          tpu.vector_store %arg10[%swap3A_186, %swap3A_187], %gather3A_185 {strides = array<i32>} : memref<256x128xf32, #tpu.memory_space<vmem>>, vector<16xf32>,
          %broadcast_in_dim3A_189 = vector.broadcast %rem3A_84 : i32 to vector<16xi32>
          %add3A_190 = arith.constant 32 : i32
          %add3A_191 = vector.broadcast %add3A_190 : i32 to vector<16xi32>
          %add3A_192 = arith.addi %iota3A, %add3A_191 : vector<16xi32>
          %gather3A_193 = tpu.vector_load_idx %arg9[%broadcast_in_dim3A_189, %add3A_192, %gather3A] : memref<2x64x256xf32, #tpu.memory_space<vmem>>[vector<16xi32>, vector<16xi32>, vector<16xi32>], vector<16xf32>,
          %swap3A_194 = arith.index_cast %add3A_173 : i32 to index
          %swap3A_195 = arith.constant 32 : index
          %swap3A_196 = tpu.vector_load %arg10[%swap3A_194, %swap3A_195] {strides = array<i32>} : memref<256x128xf32, #tpu.memory_space<vmem>>, vector<16xf32>,
          tpu.vector_store %arg10[%swap3A_194, %swap3A_195], %gather3A_193 {strides = array<i32>} : memref<256x128xf32, #tpu.memory_space<vmem>>, vector<16xf32>,
          %broadcast_in_dim3A_197 = vector.broadcast %rem3A_84 : i32 to vector<16xi32>
          %add3A_198 = arith.constant 48 : i32
          %add3A_199 = vector.broadcast %add3A_198 : i32 to vector<16xi32>
          %add3A_200 = arith.addi %iota3A, %add3A_199 : vector<16xi32>
          %gather3A_201 = tpu.vector_load_idx %arg9[%broadcast_in_dim3A_197, %add3A_200, %gather3A] : memref<2x64x256xf32, #tpu.memory_space<vmem>>[vector<16xi32>, vector<16xi32>, vector<16xi32>], vector<16xf32>,
          %swap3A_202 = arith.index_cast %add3A_173 : i32 to index
          %swap3A_203 = arith.constant 48 : index
          %swap3A_204 = tpu.vector_load %arg10[%swap3A_202, %swap3A_203] {strides = array<i32>} : memref<256x128xf32, #tpu.memory_space<vmem>>, vector<16xf32>,
          tpu.vector_store %arg10[%swap3A_202, %swap3A_203], %gather3A_201 {strides = array<i32>} : memref<256x128xf32, #tpu.memory_space<vmem>>, vector<16xf32>,
          %while3A_205 = arith.constant 0 : i32
          scf.yield %while3A_205 : i32
        }
        %add3A_148 = arith.addi %while3A_101, %squeeze3A_135 : i32
        %ge3A_149 = arith.constant 16 : i32
        %ge3A_150 = arith.cmpi sge, %add3A_148, %ge3A_149 : i32
        %convert_element_type3A_151 = arith.extui %ge3A_150 : i1 to i32
        %cond3A_152 = arith.constant 0 : i32
        %cond3A_153 = arith.cmpi ne, %convert_element_type3A_151, %cond3A_152 : i32
        scf.if %cond3A_153 {
          %rem3A_160 = arith.constant 16 : i32
          %rem3A_161 = arith.remsi %while3A_102, %rem3A_160 : i32
          %mul3A_162 = arith.constant 16 : i32
          %mul3A_163 = arith.muli %mul3A_162, %rem3A_161 : i32
          %multiple_of3A_164 = tpu.assume_multiple %mul3A_163, 16 : i32
          %dma_start3A = arith.constant 0 : i32
          %dma_start3A_165 = arith.constant 0 : i32
          %dma_start3A_166 = tpu.memref_slice %arg10[%multiple_of3A_164, %dma_start3A_165] : memref<256x128xf32, #tpu.memory_space<vmem>> -> memref<16x128xf32, #tpu.memory_space<vmem>>
          %dma_start3A_167 = arith.constant 0 : i32
          %dma_start3A_168 = tpu.memref_slice %arg12[%dma_start3A, %dma_start3A_167] : memref<2x16xi32, #tpu.memory_space<vmem>> -> memref<1x16xi32, #tpu.memory_space<vmem>>
          %dma_start3A_169 = tpu.memref_squeeze %dma_start3A_168 : memref<1x16xi32, #tpu.memory_space<vmem>> -> memref<16xi32, #tpu.memory_space<vmem>>
          %dma_start3A_170 = arith.constant 0 : i32
          %dma_start3A_171 = arith.constant 0 : i32
          %dma_start3A_172 = tpu.memref_slice %arg5[%dma_start3A_170, %dma_start3A_171] : memref<16512x128xf32, #tpu.memory_space<hbm>> -> memref<16512x128xf32, #tpu.memory_space<hbm>>
          tpu.enqueue_indirect_dma source(%dma_start3A_166 : memref<16x128xf32, #tpu.memory_space<vmem>>) target(%dma_start3A_172 : memref<16512x128xf32, #tpu.memory_space<hbm>>) offsets(%dma_start3A_169 : memref<16xi32, #tpu.memory_space<vmem>>) semaphore(%arg14 : memref<!tpu.dma_semaphore, #tpu.memory_space<semaphore_mem>>)
          %dma_wait3A_173 = arith.constant 0 : i32
          %dma_wait3A_174 = arith.constant 0 : i32
          %dma_wait3A_175 = tpu.memref_slice %arg10[%multiple_of3A_164, %dma_wait3A_174] : memref<256x128xf32, #tpu.memory_space<vmem>> -> memref<16x128xf32, #tpu.memory_space<vmem>>
          %dma_wait3A_176 = arith.constant 0 : i32
          %dma_wait3A_177 = tpu.memref_slice %arg12[%dma_wait3A_173, %dma_wait3A_176] : memref<2x16xi32, #tpu.memory_space<vmem>> -> memref<1x16xi32, #tpu.memory_space<vmem>>
          %dma_wait3A_178 = tpu.memref_squeeze %dma_wait3A_177 : memref<1x16xi32, #tpu.memory_space<vmem>> -> memref<16xi32, #tpu.memory_space<vmem>>
          %dma_wait3A_179 = arith.constant 0 : i32
          %dma_wait3A_180 = arith.constant 0 : i32
          %dma_wait3A_181 = tpu.memref_slice %arg5[%dma_wait3A_179, %dma_wait3A_180] : memref<16512x128xf32, #tpu.memory_space<hbm>> -> memref<16512x128xf32, #tpu.memory_space<hbm>>
          tpu.wait_indirect_dma semaphore(%arg14 : memref<!tpu.dma_semaphore, #tpu.memory_space<semaphore_mem>>) src(%dma_wait3A_175 : memref<16x128xf32, #tpu.memory_space<vmem>>) dst(%dma_wait3A_181 : memref<16512x128xf32, #tpu.memory_space<hbm>>)
          %get3A_182 = arith.constant 1 : i32
          %get3A_183 = arith.index_cast %get3A_182 : i32 to index
          %get3A_184 = arith.constant 0 : index
          %get3A_185 = tpu.vector_load %arg12[%get3A_183, %get3A_184] {strides = array<i32>} : memref<2x16xi32, #tpu.memory_space<vmem>>, vector<16xi32>,
          %swap3A = arith.constant 0 : i32
          %swap3A_186 = arith.index_cast %swap3A : i32 to index
          %swap3A_187 = arith.constant 0 : index
          %swap3A_188 = tpu.vector_load %arg12[%swap3A_186, %swap3A_187] {strides = array<i32>} : memref<2x16xi32, #tpu.memory_space<vmem>>, vector<16xi32>,
          tpu.vector_store %arg12[%swap3A_186, %swap3A_187], %get3A_185 {strides = array<i32>} : memref<2x16xi32, #tpu.memory_space<vmem>>, vector<16xi32>,
          %get3A_189 = arith.constant 16 : index
          %get3A_190 = tpu.vector_load %arg11[%get3A_189] {strides = array<i32>} : memref<32xi32, #tpu.memory_space<vmem>>, vector<16xi32>,
          %swap3A_191 = arith.constant 0 : index
          %swap3A_192 = tpu.vector_load %arg11[%swap3A_191] {strides = array<i32>} : memref<32xi32, #tpu.memory_space<vmem>>, vector<16xi32>,
          tpu.vector_store %arg11[%swap3A_191], %get3A_190 {strides = array<i32>} : memref<32xi32, #tpu.memory_space<vmem>>, vector<16xi32>,
        } else {
        }
        %sub3A_154 = arith.constant 16 : i32
        %sub3A_155 = arith.subi %add3A_148, %sub3A_154 : i32
        %select_n3A_156 = arith.select %ge3A_150, %sub3A_155, %add3A_148 : i32
        %add3A_157 = arith.constant 1 : i32
        %add3A_158 = arith.addi %while3A_102, %add3A_157 : i32
        %select_n3A_159 = arith.select %ge3A_150, %add3A_158, %while3A_102 : i32
        scf.yield %select_n3A_156, %select_n3A_159 : i32, i32
      }
      %while3A_98 = arith.constant 1 : i32
      %while3A_99:2 = scf.for %while3A_100 = %while3A_95 to %while3A_91 step %while3A_98 iter_args(%while3A_101 = %while3A_97#0, %while3A_102 = %while3A_97#1) -> (i32, i32)  : i32 {
        %mul3A_103 = arith.constant 16 : i32
        %mul3A_104 = arith.muli %mul3A_103, %while3A_100 : i32
        %get3A = arith.index_cast %mul3A_104 : i32 to index
        %get3A_105 = tpu.vector_load %arg7[%get3A] {strides = array<i32>} : memref<16384xi32, #tpu.memory_space<vmem>>, vector<16xi32>,
        %mul3A_106 = arith.constant 16 : i32
        %mul3A_107 = arith.muli %mul3A_106, %while3A_100 : i32
        %get3A_108 = arith.index_cast %mul3A_107 : i32 to index
        %get3A_109 = tpu.vector_load %arg8[%get3A_108] {strides = array<i32>} : memref<16384xi32, #tpu.memory_space<vmem>>, vector<16xi32>,
        %ge3A = vector.broadcast %mul3A_80 : i32 to vector<16xi32>
        %ge3A_110 = arith.cmpi sge, %get3A_105, %ge3A : vector<16xi32>
        %lt3A_111 = vector.broadcast %add3A_82 : i32 to vector<16xi32>
        %lt3A_112 = arith.cmpi slt, %get3A_105, %lt3A_111 : vector<16xi32>
        %and3A = arith.andi %ge3A_110, %lt3A_112 : vector<16xi1>
        %mul3A_113 = arith.constant 16 : i32
        %mul3A_114 = arith.muli %mul3A_113, %while3A_100 : i32
        %add3A_115 = vector.broadcast %mul3A_114 : i32 to vector<16xi32>
        %add3A_116 = arith.addi %iota3A, %add3A_115 : vector<16xi32>
        %lt3A_117 = vector.broadcast %squeeze3A : i32 to vector<16xi32>
        %lt3A_118 = arith.cmpi slt, %add3A_116, %lt3A_117 : vector<16xi32>
        %and3A_119 = arith.andi %and3A, %lt3A_118 : vector<16xi1>
        %convert_element_type3A_120 = arith.extui %and3A_119 : vector<16xi1> to vector<16xi32>
        %broadcast_in_dim3A_121 = vector.broadcast %while3A_101 : i32 to vector<16xi32>
        %broadcast_in_dim3A_122 = arith.constant true
        %broadcast_in_dim3A_123 = vector.broadcast %broadcast_in_dim3A_122 : i1 to vector<16xi1>
        %masked_cumsum3A = tpu.scan <sum>, %convert_element_type3A_120 masked %broadcast_in_dim3A_123 : vector<16xi32>, vector<16xi1> -> vector<16xi32>
        %add3A_124 = arith.addi %broadcast_in_dim3A_121, %masked_cumsum3A : vector<16xi32>
        %sub3A_125 = arith.subi %add3A_124, %convert_element_type3A_120 : vector<16xi32>
        %sub3A_126 = vector.broadcast %mul3A_80 : i32 to vector<16xi32>
        %sub3A_127 = arith.subi %get3A_105, %sub3A_126 : vector<16xi32>
        tpu.vector_store_idx %arg11[%sub3A_125], %sub3A_127 masked %and3A_119 : memref<32xi32, #tpu.memory_space<vmem>>[vector<16xi32>], vector<16xi32>, vector<16xi1>
        %shift_right_arithmetic3A_128 = arith.constant 4 : i32
        %shift_right_arithmetic3A_129 = vector.broadcast %shift_right_arithmetic3A_128 : i32 to vector<16xi32>
        %shift_right_arithmetic3A_130 = arith.shrsi %sub3A_125, %shift_right_arithmetic3A_129 : vector<16xi32>
        %and3A_131 = arith.constant 15 : i32
        %and3A_132 = vector.broadcast %and3A_131 : i32 to vector<16xi32>
        %and3A_133 = arith.andi %sub3A_125, %and3A_132 : vector<16xi32>
        tpu.vector_store_idx %arg12[%shift_right_arithmetic3A_130, %and3A_133], %get3A_109 masked %and3A_119 : memref<2x16xi32, #tpu.memory_space<vmem>>[vector<16xi32>, vector<16xi32>], vector<16xi32>, vector<16xi1>
        %all_reduce_population_count3A = tpu.all_reduce %and3A_119 {dim = 0 : i64, kind = #tpu.reduction_kind<sum>} : vector<16xi1> -> vector<16xi32>
        %slice3A_134 = vector.extract_strided_slice %all_reduce_population_count3A {offsets = [0], sizes = [1], strides = [1]} : vector<16xi32> to vector<1xi32>
        %squeeze3A_135 = vector.extract %slice3A_134[0] : i32 from vector<1xi32>
        %add3A_136 = arith.addi %while3A_101, %squeeze3A_135 : i32
        %while3A_137 = arith.constant 0 : i32
        %while3A_138 = arith.subi %add3A_136, %while3A_101 : i32
        %while3A_139 = arith.addi %while3A_101, %while3A_138 : i32
        %while3A_140 = arith.constant 1 : i32
        %while3A_141 = arith.divsi %while3A_138, %while3A_140 : i32
        %while3A_142 = arith.muli %while3A_141, %while3A_140 : i32
        %while3A_143 = arith.addi %while3A_101, %while3A_142 : i32
        %while3A_144 = arith.constant 1 : i32
        %while3A_145 = scf.for %while3A_160 = %while3A_101 to %while3A_143 step %while3A_144 iter_args(%while3A_161 = %while3A_137) -> (i32)  : i32 {
          %broadcast_in_dim3A_162 = vector.broadcast %while3A_160 : i32 to vector<16xi32>
          %gather3A = tpu.vector_load_idx %arg11[%broadcast_in_dim3A_162] : memref<32xi32, #tpu.memory_space<vmem>>[vector<16xi32>], vector<16xi32>,
          %ge3A_163 = arith.constant 16 : i32
          %ge3A_164 = arith.cmpi sge, %while3A_160, %ge3A_163 : i32
          %convert_element_type3A_165 = arith.extui %ge3A_164 : i1 to i32
          %add3A_166 = arith.addi %while3A_102, %convert_element_type3A_165 : i32
          %rem3A_167 = arith.constant 16 : i32
          %rem3A_168 = arith.remsi %add3A_166, %rem3A_167 : i32
          %mul3A_169 = arith.constant 16 : i32
          %mul3A_170 = arith.muli %mul3A_169, %rem3A_168 : i32
          %rem3A_171 = arith.constant 16 : i32
          %rem3A_172 = arith.remsi %while3A_160, %rem3A_171 : i32
          %add3A_173 = arith.addi %mul3A_170, %rem3A_172 : i32
          %broadcast_in_dim3A_174 = vector.broadcast %rem3A_84 : i32 to vector<16xi32>
          %add3A_175 = arith.constant 0 : i32
          %add3A_176 = vector.broadcast %add3A_175 : i32 to vector<16xi32>
          %add3A_177 = arith.addi %iota3A, %add3A_176 : vector<16xi32>
          %gather3A_178 = tpu.vector_load_idx %arg9[%broadcast_in_dim3A_174, %add3A_177, %gather3A] : memref<2x64x256xf32, #tpu.memory_space<vmem>>[vector<16xi32>, vector<16xi32>, vector<16xi32>], vector<16xf32>,
          %swap3A = arith.index_cast %add3A_173 : i32 to index
          %swap3A_179 = arith.constant 0 : index
          %swap3A_180 = tpu.vector_load %arg10[%swap3A, %swap3A_179] {strides = array<i32>} : memref<256x128xf32, #tpu.memory_space<vmem>>, vector<16xf32>,
          tpu.vector_store %arg10[%swap3A, %swap3A_179], %gather3A_178 {strides = array<i32>} : memref<256x128xf32, #tpu.memory_space<vmem>>, vector<16xf32>,
          %broadcast_in_dim3A_181 = vector.broadcast %rem3A_84 : i32 to vector<16xi32>
          %add3A_182 = arith.constant 16 : i32
          %add3A_183 = vector.broadcast %add3A_182 : i32 to vector<16xi32>
          %add3A_184 = arith.addi %iota3A, %add3A_183 : vector<16xi32>
          %gather3A_185 = tpu.vector_load_idx %arg9[%broadcast_in_dim3A_181, %add3A_184, %gather3A] : memref<2x64x256xf32, #tpu.memory_space<vmem>>[vector<16xi32>, vector<16xi32>, vector<16xi32>], vector<16xf32>,
          %swap3A_186 = arith.index_cast %add3A_173 : i32 to index
          %swap3A_187 = arith.constant 16 : index
          %swap3A_188 = tpu.vector_load %arg10[%swap3A_186, %swap3A_187] {strides = array<i32>} : memref<256x128xf32, #tpu.memory_space<vmem>>, vector<16xf32>,
          tpu.vector_store %arg10[%swap3A_186, %swap3A_187], %gather3A_185 {strides = array<i32>} : memref<256x128xf32, #tpu.memory_space<vmem>>, vector<16xf32>,
          %broadcast_in_dim3A_189 = vector.broadcast %rem3A_84 : i32 to vector<16xi32>
          %add3A_190 = arith.constant 32 : i32
          %add3A_191 = vector.broadcast %add3A_190 : i32 to vector<16xi32>
          %add3A_192 = arith.addi %iota3A, %add3A_191 : vector<16xi32>
          %gather3A_193 = tpu.vector_load_idx %arg9[%broadcast_in_dim3A_189, %add3A_192, %gather3A] : memref<2x64x256xf32, #tpu.memory_space<vmem>>[vector<16xi32>, vector<16xi32>, vector<16xi32>], vector<16xf32>,
          %swap3A_194 = arith.index_cast %add3A_173 : i32 to index
          %swap3A_195 = arith.constant 32 : index
          %swap3A_196 = tpu.vector_load %arg10[%swap3A_194, %swap3A_195] {strides = array<i32>} : memref<256x128xf32, #tpu.memory_space<vmem>>, vector<16xf32>,
          tpu.vector_store %arg10[%swap3A_194, %swap3A_195], %gather3A_193 {strides = array<i32>} : memref<256x128xf32, #tpu.memory_space<vmem>>, vector<16xf32>,
          %broadcast_in_dim3A_197 = vector.broadcast %rem3A_84 : i32 to vector<16xi32>
          %add3A_198 = arith.constant 48 : i32
          %add3A_199 = vector.broadcast %add3A_198 : i32 to vector<16xi32>
          %add3A_200 = arith.addi %iota3A, %add3A_199 : vector<16xi32>
          %gather3A_201 = tpu.vector_load_idx %arg9[%broadcast_in_dim3A_197, %add3A_200, %gather3A] : memref<2x64x256xf32, #tpu.memory_space<vmem>>[vector<16xi32>, vector<16xi32>, vector<16xi32>], vector<16xf32>,
          %swap3A_202 = arith.index_cast %add3A_173 : i32 to index
          %swap3A_203 = arith.constant 48 : index
          %swap3A_204 = tpu.vector_load %arg10[%swap3A_202, %swap3A_203] {strides = array<i32>} : memref<256x128xf32, #tpu.memory_space<vmem>>, vector<16xf32>,
          tpu.vector_store %arg10[%swap3A_202, %swap3A_203], %gather3A_201 {strides = array<i32>} : memref<256x128xf32, #tpu.memory_space<vmem>>, vector<16xf32>,
          %while3A_205 = arith.constant 0 : i32
          scf.yield %while3A_205 : i32
        }
        %while3A_146 = arith.constant 1 : i32
        %while3A_147 = scf.for %while3A_160 = %while3A_143 to %while3A_139 step %while3A_146 iter_args(%while3A_161 = %while3A_145) -> (i32)  : i32 {
          %broadcast_in_dim3A_162 = vector.broadcast %while3A_160 : i32 to vector<16xi32>
          %gather3A = tpu.vector_load_idx %arg11[%broadcast_in_dim3A_162] : memref<32xi32, #tpu.memory_space<vmem>>[vector<16xi32>], vector<16xi32>,
          %ge3A_163 = arith.constant 16 : i32
          %ge3A_164 = arith.cmpi sge, %while3A_160, %ge3A_163 : i32
          %convert_element_type3A_165 = arith.extui %ge3A_164 : i1 to i32
          %add3A_166 = arith.addi %while3A_102, %convert_element_type3A_165 : i32
          %rem3A_167 = arith.constant 16 : i32
          %rem3A_168 = arith.remsi %add3A_166, %rem3A_167 : i32
          %mul3A_169 = arith.constant 16 : i32
          %mul3A_170 = arith.muli %mul3A_169, %rem3A_168 : i32
          %rem3A_171 = arith.constant 16 : i32
          %rem3A_172 = arith.remsi %while3A_160, %rem3A_171 : i32
          %add3A_173 = arith.addi %mul3A_170, %rem3A_172 : i32
          %broadcast_in_dim3A_174 = vector.broadcast %rem3A_84 : i32 to vector<16xi32>
          %add3A_175 = arith.constant 0 : i32
          %add3A_176 = vector.broadcast %add3A_175 : i32 to vector<16xi32>
          %add3A_177 = arith.addi %iota3A, %add3A_176 : vector<16xi32>
          %gather3A_178 = tpu.vector_load_idx %arg9[%broadcast_in_dim3A_174, %add3A_177, %gather3A] : memref<2x64x256xf32, #tpu.memory_space<vmem>>[vector<16xi32>, vector<16xi32>, vector<16xi32>], vector<16xf32>,
          %swap3A = arith.index_cast %add3A_173 : i32 to index
          %swap3A_179 = arith.constant 0 : index
          %swap3A_180 = tpu.vector_load %arg10[%swap3A, %swap3A_179] {strides = array<i32>} : memref<256x128xf32, #tpu.memory_space<vmem>>, vector<16xf32>,
          tpu.vector_store %arg10[%swap3A, %swap3A_179], %gather3A_178 {strides = array<i32>} : memref<256x128xf32, #tpu.memory_space<vmem>>, vector<16xf32>,
          %broadcast_in_dim3A_181 = vector.broadcast %rem3A_84 : i32 to vector<16xi32>
          %add3A_182 = arith.constant 16 : i32
          %add3A_183 = vector.broadcast %add3A_182 : i32 to vector<16xi32>
          %add3A_184 = arith.addi %iota3A, %add3A_183 : vector<16xi32>
          %gather3A_185 = tpu.vector_load_idx %arg9[%broadcast_in_dim3A_181, %add3A_184, %gather3A] : memref<2x64x256xf32, #tpu.memory_space<vmem>>[vector<16xi32>, vector<16xi32>, vector<16xi32>], vector<16xf32>,
          %swap3A_186 = arith.index_cast %add3A_173 : i32 to index
          %swap3A_187 = arith.constant 16 : index
          %swap3A_188 = tpu.vector_load %arg10[%swap3A_186, %swap3A_187] {strides = array<i32>} : memref<256x128xf32, #tpu.memory_space<vmem>>, vector<16xf32>,
          tpu.vector_store %arg10[%swap3A_186, %swap3A_187], %gather3A_185 {strides = array<i32>} : memref<256x128xf32, #tpu.memory_space<vmem>>, vector<16xf32>,
          %broadcast_in_dim3A_189 = vector.broadcast %rem3A_84 : i32 to vector<16xi32>
          %add3A_190 = arith.constant 32 : i32
          %add3A_191 = vector.broadcast %add3A_190 : i32 to vector<16xi32>
          %add3A_192 = arith.addi %iota3A, %add3A_191 : vector<16xi32>
          %gather3A_193 = tpu.vector_load_idx %arg9[%broadcast_in_dim3A_189, %add3A_192, %gather3A] : memref<2x64x256xf32, #tpu.memory_space<vmem>>[vector<16xi32>, vector<16xi32>, vector<16xi32>], vector<16xf32>,
          %swap3A_194 = arith.index_cast %add3A_173 : i32 to index
          %swap3A_195 = arith.constant 32 : index
          %swap3A_196 = tpu.vector_load %arg10[%swap3A_194, %swap3A_195] {strides = array<i32>} : memref<256x128xf32, #tpu.memory_space<vmem>>, vector<16xf32>,
          tpu.vector_store %arg10[%swap3A_194, %swap3A_195], %gather3A_193 {strides = array<i32>} : memref<256x128xf32, #tpu.memory_space<vmem>>, vector<16xf32>,
          %broadcast_in_dim3A_197 = vector.broadcast %rem3A_84 : i32 to vector<16xi32>
          %add3A_198 = arith.constant 48 : i32
          %add3A_199 = vector.broadcast %add3A_198 : i32 to vector<16xi32>
          %add3A_200 = arith.addi %iota3A, %add3A_199 : vector<16xi32>
          %gather3A_201 = tpu.vector_load_idx %arg9[%broadcast_in_dim3A_197, %add3A_200, %gather3A] : memref<2x64x256xf32, #tpu.memory_space<vmem>>[vector<16xi32>, vector<16xi32>, vector<16xi32>], vector<16xf32>,
          %swap3A_202 = arith.index_cast %add3A_173 : i32 to index
          %swap3A_203 = arith.constant 48 : index
          %swap3A_204 = tpu.vector_load %arg10[%swap3A_202, %swap3A_203] {strides = array<i32>} : memref<256x128xf32, #tpu.memory_space<vmem>>, vector<16xf32>,
          tpu.vector_store %arg10[%swap3A_202, %swap3A_203], %gather3A_201 {strides = array<i32>} : memref<256x128xf32, #tpu.memory_space<vmem>>, vector<16xf32>,
          %while3A_205 = arith.constant 0 : i32
          scf.yield %while3A_205 : i32
        }
        %add3A_148 = arith.addi %while3A_101, %squeeze3A_135 : i32
        %ge3A_149 = arith.constant 16 : i32
        %ge3A_150 = arith.cmpi sge, %add3A_148, %ge3A_149 : i32
        %convert_element_type3A_151 = arith.extui %ge3A_150 : i1 to i32
        %cond3A_152 = arith.constant 0 : i32
        %cond3A_153 = arith.cmpi ne, %convert_element_type3A_151, %cond3A_152 : i32
        scf.if %cond3A_153 {
          %rem3A_160 = arith.constant 16 : i32
          %rem3A_161 = arith.remsi %while3A_102, %rem3A_160 : i32
          %mul3A_162 = arith.constant 16 : i32
          %mul3A_163 = arith.muli %mul3A_162, %rem3A_161 : i32
          %multiple_of3A_164 = tpu.assume_multiple %mul3A_163, 16 : i32
          %dma_start3A = arith.constant 0 : i32
          %dma_start3A_165 = arith.constant 0 : i32
          %dma_start3A_166 = tpu.memref_slice %arg10[%multiple_of3A_164, %dma_start3A_165] : memref<256x128xf32, #tpu.memory_space<vmem>> -> memref<16x128xf32, #tpu.memory_space<vmem>>
          %dma_start3A_167 = arith.constant 0 : i32
          %dma_start3A_168 = tpu.memref_slice %arg12[%dma_start3A, %dma_start3A_167] : memref<2x16xi32, #tpu.memory_space<vmem>> -> memref<1x16xi32, #tpu.memory_space<vmem>>
          %dma_start3A_169 = tpu.memref_squeeze %dma_start3A_168 : memref<1x16xi32, #tpu.memory_space<vmem>> -> memref<16xi32, #tpu.memory_space<vmem>>
          %dma_start3A_170 = arith.constant 0 : i32
          %dma_start3A_171 = arith.constant 0 : i32
          %dma_start3A_172 = tpu.memref_slice %arg5[%dma_start3A_170, %dma_start3A_171] : memref<16512x128xf32, #tpu.memory_space<hbm>> -> memref<16512x128xf32, #tpu.memory_space<hbm>>
          tpu.enqueue_indirect_dma source(%dma_start3A_166 : memref<16x128xf32, #tpu.memory_space<vmem>>) target(%dma_start3A_172 : memref<16512x128xf32, #tpu.memory_space<hbm>>) offsets(%dma_start3A_169 : memref<16xi32, #tpu.memory_space<vmem>>) semaphore(%arg14 : memref<!tpu.dma_semaphore, #tpu.memory_space<semaphore_mem>>)
          %dma_wait3A_173 = arith.constant 0 : i32
          %dma_wait3A_174 = arith.constant 0 : i32
          %dma_wait3A_175 = tpu.memref_slice %arg10[%multiple_of3A_164, %dma_wait3A_174] : memref<256x128xf32, #tpu.memory_space<vmem>> -> memref<16x128xf32, #tpu.memory_space<vmem>>
          %dma_wait3A_176 = arith.constant 0 : i32
          %dma_wait3A_177 = tpu.memref_slice %arg12[%dma_wait3A_173, %dma_wait3A_176] : memref<2x16xi32, #tpu.memory_space<vmem>> -> memref<1x16xi32, #tpu.memory_space<vmem>>
          %dma_wait3A_178 = tpu.memref_squeeze %dma_wait3A_177 : memref<1x16xi32, #tpu.memory_space<vmem>> -> memref<16xi32, #tpu.memory_space<vmem>>
          %dma_wait3A_179 = arith.constant 0 : i32
          %dma_wait3A_180 = arith.constant 0 : i32
          %dma_wait3A_181 = tpu.memref_slice %arg5[%dma_wait3A_179, %dma_wait3A_180] : memref<16512x128xf32, #tpu.memory_space<hbm>> -> memref<16512x128xf32, #tpu.memory_space<hbm>>
          tpu.wait_indirect_dma semaphore(%arg14 : memref<!tpu.dma_semaphore, #tpu.memory_space<semaphore_mem>>) src(%dma_wait3A_175 : memref<16x128xf32, #tpu.memory_space<vmem>>) dst(%dma_wait3A_181 : memref<16512x128xf32, #tpu.memory_space<hbm>>)
          %get3A_182 = arith.constant 1 : i32
          %get3A_183 = arith.index_cast %get3A_182 : i32 to index
          %get3A_184 = arith.constant 0 : index
          %get3A_185 = tpu.vector_load %arg12[%get3A_183, %get3A_184] {strides = array<i32>} : memref<2x16xi32, #tpu.memory_space<vmem>>, vector<16xi32>,
          %swap3A = arith.constant 0 : i32
          %swap3A_186 = arith.index_cast %swap3A : i32 to index
          %swap3A_187 = arith.constant 0 : index
          %swap3A_188 = tpu.vector_load %arg12[%swap3A_186, %swap3A_187] {strides = array<i32>} : memref<2x16xi32, #tpu.memory_space<vmem>>, vector<16xi32>,
          tpu.vector_store %arg12[%swap3A_186, %swap3A_187], %get3A_185 {strides = array<i32>} : memref<2x16xi32, #tpu.memory_space<vmem>>, vector<16xi32>,
          %get3A_189 = arith.constant 16 : index
          %get3A_190 = tpu.vector_load %arg11[%get3A_189] {strides = array<i32>} : memref<32xi32, #tpu.memory_space<vmem>>, vector<16xi32>,
          %swap3A_191 = arith.constant 0 : index
          %swap3A_192 = tpu.vector_load %arg11[%swap3A_191] {strides = array<i32>} : memref<32xi32, #tpu.memory_space<vmem>>, vector<16xi32>,
          tpu.vector_store %arg11[%swap3A_191], %get3A_190 {strides = array<i32>} : memref<32xi32, #tpu.memory_space<vmem>>, vector<16xi32>,
        } else {
        }
        %sub3A_154 = arith.constant 16 : i32
        %sub3A_155 = arith.subi %add3A_148, %sub3A_154 : i32
        %select_n3A_156 = arith.select %ge3A_150, %sub3A_155, %add3A_148 : i32
        %add3A_157 = arith.constant 1 : i32
        %add3A_158 = arith.addi %while3A_102, %add3A_157 : i32
        %select_n3A_159 = arith.select %ge3A_150, %add3A_158, %while3A_102 : i32
        scf.yield %select_n3A_156, %select_n3A_159 : i32, i32
      }
      scf.yield %while3A_99#0, %while3A_99#1 : i32, i32
    }
    %while3A_31 = arith.constant 1 : i32
    %while3A_32:2 = scf.for %while3A_55 = %while3A_28 to %while3A_24 step %while3A_31 iter_args(%while3A_56 = %while3A_30#0, %while3A_57 = %while3A_30#1) -> (i32, i32)  : i32 {
      %add3A_58 = arith.constant 1 : i32
      %add3A_59 = arith.addi %while3A_55, %add3A_58 : i32
      %lt3A = arith.cmpi slt, %add3A_59, %min3A_6 : i32
      %convert_element_type3A_60 = arith.extui %lt3A : i1 to i32
      %cond3A_61 = arith.constant 0 : i32
      %cond3A_62 = arith.cmpi ne, %convert_element_type3A_60, %cond3A_61 : i32
      scf.if %cond3A_62 {
        %add3A_100 = arith.constant 1 : i32
        %add3A_101 = arith.addi %while3A_55, %add3A_100 : i32
        %add3A_102 = arith.addi %mul3A_4, %add3A_101 : i32
        %mul3A_103 = arith.constant 256 : i32
        %mul3A_104 = arith.muli %add3A_102, %mul3A_103 : i32
        %multiple_of3A_105 = tpu.assume_multiple %mul3A_104, 128 : i32
        %add3A_106 = arith.constant 1 : i32
        %add3A_107 = arith.addi %while3A_55, %add3A_106 : i32
        %rem3A_108 = arith.constant 2 : i32
        %rem3A_109 = arith.remsi %add3A_107, %rem3A_108 : i32
        %dma_start3A = arith.constant 0 : i32
        %dma_start3A_110 = arith.constant 0 : i32
        %dma_start3A_111 = tpu.memref_slice %arg9[%rem3A_109, %dma_start3A, %dma_start3A_110] : memref<2x64x256xf32, #tpu.memory_space<vmem>> -> memref<1x64x256xf32, #tpu.memory_space<vmem>>
        %dma_start3A_112 = tpu.memref_squeeze %dma_start3A_111 : memref<1x64x256xf32, #tpu.memory_space<vmem>> -> memref<64x256xf32, #tpu.memory_space<vmem>>
        %dma_start3A_113 = arith.constant 0 : i32
        %dma_start3A_114 = tpu.memref_slice %arg3[%dma_start3A_113, %multiple_of3A_105] : memref<64x1000000xf32, #tpu.memory_space<hbm>> -> memref<64x256xf32, #tpu.memory_space<hbm>>
        %dma_start3A_115 = arith.constant 0 : i32
        %dma_start3A_116 = arith.constant 0 : i32
        %dma_start3A_117 = tpu.memref_slice %arg9[%rem3A_109, %dma_start3A_115, %dma_start3A_116] : memref<2x64x256xf32, #tpu.memory_space<vmem>> -> memref<1x64x256xf32, #tpu.memory_space<vmem>>
        %dma_start3A_118 = tpu.memref_squeeze %dma_start3A_117 : memref<1x64x256xf32, #tpu.memory_space<vmem>> -> memref<64x256xf32, #tpu.memory_space<vmem>>
        %dma_start3A_119 = arith.constant 0 : i32
        %dma_start3A_120 = tpu.memref_slice %arg3[%dma_start3A_119, %multiple_of3A_105] : memref<64x1000000xf32, #tpu.memory_space<hbm>> -> memref<64x256xf32, #tpu.memory_space<hbm>>
        tpu.enqueue_dma source(%dma_start3A_120 : memref<64x256xf32, #tpu.memory_space<hbm>>) target(%dma_start3A_118 : memref<64x256xf32, #tpu.memory_space<vmem>>) target_semaphore(%arg13 : memref<!tpu.dma_semaphore, #tpu.memory_space<semaphore_mem>>)
      } else {
      }
      %add3A_63 = arith.addi %mul3A_4, %while3A_55 : i32
      %mul3A_64 = arith.constant 256 : i32
      %mul3A_65 = arith.muli %add3A_63, %mul3A_64 : i32
      %multiple_of3A = tpu.assume_multiple %mul3A_65, 128 : i32
      %rem3A = arith.constant 2 : i32
      %rem3A_66 = arith.remsi %while3A_55, %rem3A : i32
      %dma_wait3A = arith.constant 0 : i32
      %dma_wait3A_67 = arith.constant 0 : i32
      %dma_wait3A_68 = tpu.memref_slice %arg9[%rem3A_66, %dma_wait3A, %dma_wait3A_67] : memref<2x64x256xf32, #tpu.memory_space<vmem>> -> memref<1x64x256xf32, #tpu.memory_space<vmem>>
      %dma_wait3A_69 = tpu.memref_squeeze %dma_wait3A_68 : memref<1x64x256xf32, #tpu.memory_space<vmem>> -> memref<64x256xf32, #tpu.memory_space<vmem>>
      %dma_wait3A_70 = arith.constant 0 : i32
      %dma_wait3A_71 = tpu.memref_slice %arg3[%dma_wait3A_70, %multiple_of3A] : memref<64x1000000xf32, #tpu.memory_space<hbm>> -> memref<64x256xf32, #tpu.memory_space<hbm>>
      %dma_wait3A_72 = arith.constant 0 : i32
      %dma_wait3A_73 = arith.constant 0 : i32
      %dma_wait3A_74 = tpu.memref_slice %arg9[%rem3A_66, %dma_wait3A_72, %dma_wait3A_73] : memref<2x64x256xf32, #tpu.memory_space<vmem>> -> memref<1x64x256xf32, #tpu.memory_space<vmem>>
      %dma_wait3A_75 = tpu.memref_squeeze %dma_wait3A_74 : memref<1x64x256xf32, #tpu.memory_space<vmem>> -> memref<64x256xf32, #tpu.memory_space<vmem>>
      %dma_wait3A_76 = arith.constant 0 : i32
      %dma_wait3A_77 = tpu.memref_slice %arg3[%dma_wait3A_76, %multiple_of3A] : memref<64x1000000xf32, #tpu.memory_space<hbm>> -> memref<64x256xf32, #tpu.memory_space<hbm>>
      tpu.wait_dma2 semaphore(%arg13 : memref<!tpu.dma_semaphore, #tpu.memory_space<semaphore_mem>>) src(%dma_wait3A_77 : memref<64x256xf32, #tpu.memory_space<hbm>>) dst(%dma_wait3A_75 : memref<64x256xf32, #tpu.memory_space<vmem>>)
      %add3A_78 = arith.addi %mul3A_4, %while3A_55 : i32
      %mul3A_79 = arith.constant 256 : i32
      %mul3A_80 = arith.muli %add3A_78, %mul3A_79 : i32
      %add3A_81 = arith.constant 256 : i32
      %add3A_82 = arith.addi %mul3A_80, %add3A_81 : i32
      %rem3A_83 = arith.constant 2 : i32
      %rem3A_84 = arith.remsi %while3A_55, %rem3A_83 : i32
      %add3A_85 = arith.constant 15 : i32
      %add3A_86 = arith.addi %squeeze3A, %add3A_85 : i32
      %shift_right_arithmetic3A_87 = arith.constant 4 : i32
      %shift_right_arithmetic3A_88 = arith.shrsi %add3A_86, %shift_right_arithmetic3A_87 : i32
      %while3A_89 = arith.constant 0 : i32
      %while3A_90 = arith.subi %shift_right_arithmetic3A_88, %while3A_89 : i32
      %while3A_91 = arith.addi %while3A_89, %while3A_90 : i32
      %while3A_92 = arith.constant 1 : i32
      %while3A_93 = arith.divsi %while3A_90, %while3A_92 : i32
      %while3A_94 = arith.muli %while3A_93, %while3A_92 : i32
      %while3A_95 = arith.addi %while3A_89, %while3A_94 : i32
      %while3A_96 = arith.constant 1 : i32
      %while3A_97:2 = scf.for %while3A_100 = %while3A_89 to %while3A_95 step %while3A_96 iter_args(%while3A_101 = %while3A_56, %while3A_102 = %while3A_57) -> (i32, i32)  : i32 {
        %mul3A_103 = arith.constant 16 : i32
        %mul3A_104 = arith.muli %mul3A_103, %while3A_100 : i32
        %get3A = arith.index_cast %mul3A_104 : i32 to index
        %get3A_105 = tpu.vector_load %arg7[%get3A] {strides = array<i32>} : memref<16384xi32, #tpu.memory_space<vmem>>, vector<16xi32>,
        %mul3A_106 = arith.constant 16 : i32
        %mul3A_107 = arith.muli %mul3A_106, %while3A_100 : i32
        %get3A_108 = arith.index_cast %mul3A_107 : i32 to index
        %get3A_109 = tpu.vector_load %arg8[%get3A_108] {strides = array<i32>} : memref<16384xi32, #tpu.memory_space<vmem>>, vector<16xi32>,
        %ge3A = vector.broadcast %mul3A_80 : i32 to vector<16xi32>
        %ge3A_110 = arith.cmpi sge, %get3A_105, %ge3A : vector<16xi32>
        %lt3A_111 = vector.broadcast %add3A_82 : i32 to vector<16xi32>
        %lt3A_112 = arith.cmpi slt, %get3A_105, %lt3A_111 : vector<16xi32>
        %and3A = arith.andi %ge3A_110, %lt3A_112 : vector<16xi1>
        %mul3A_113 = arith.constant 16 : i32
        %mul3A_114 = arith.muli %mul3A_113, %while3A_100 : i32
        %add3A_115 = vector.broadcast %mul3A_114 : i32 to vector<16xi32>
        %add3A_116 = arith.addi %iota3A, %add3A_115 : vector<16xi32>
        %lt3A_117 = vector.broadcast %squeeze3A : i32 to vector<16xi32>
        %lt3A_118 = arith.cmpi slt, %add3A_116, %lt3A_117 : vector<16xi32>
        %and3A_119 = arith.andi %and3A, %lt3A_118 : vector<16xi1>
        %convert_element_type3A_120 = arith.extui %and3A_119 : vector<16xi1> to vector<16xi32>
        %broadcast_in_dim3A_121 = vector.broadcast %while3A_101 : i32 to vector<16xi32>
        %broadcast_in_dim3A_122 = arith.constant true
        %broadcast_in_dim3A_123 = vector.broadcast %broadcast_in_dim3A_122 : i1 to vector<16xi1>
        %masked_cumsum3A = tpu.scan <sum>, %convert_element_type3A_120 masked %broadcast_in_dim3A_123 : vector<16xi32>, vector<16xi1> -> vector<16xi32>
        %add3A_124 = arith.addi %broadcast_in_dim3A_121, %masked_cumsum3A : vector<16xi32>
        %sub3A_125 = arith.subi %add3A_124, %convert_element_type3A_120 : vector<16xi32>
        %sub3A_126 = vector.broadcast %mul3A_80 : i32 to vector<16xi32>
        %sub3A_127 = arith.subi %get3A_105, %sub3A_126 : vector<16xi32>
        tpu.vector_store_idx %arg11[%sub3A_125], %sub3A_127 masked %and3A_119 : memref<32xi32, #tpu.memory_space<vmem>>[vector<16xi32>], vector<16xi32>, vector<16xi1>
        %shift_right_arithmetic3A_128 = arith.constant 4 : i32
        %shift_right_arithmetic3A_129 = vector.broadcast %shift_right_arithmetic3A_128 : i32 to vector<16xi32>
        %shift_right_arithmetic3A_130 = arith.shrsi %sub3A_125, %shift_right_arithmetic3A_129 : vector<16xi32>
        %and3A_131 = arith.constant 15 : i32
        %and3A_132 = vector.broadcast %and3A_131 : i32 to vector<16xi32>
        %and3A_133 = arith.andi %sub3A_125, %and3A_132 : vector<16xi32>
        tpu.vector_store_idx %arg12[%shift_right_arithmetic3A_130, %and3A_133], %get3A_109 masked %and3A_119 : memref<2x16xi32, #tpu.memory_space<vmem>>[vector<16xi32>, vector<16xi32>], vector<16xi32>, vector<16xi1>
        %all_reduce_population_count3A = tpu.all_reduce %and3A_119 {dim = 0 : i64, kind = #tpu.reduction_kind<sum>} : vector<16xi1> -> vector<16xi32>
        %slice3A_134 = vector.extract_strided_slice %all_reduce_population_count3A {offsets = [0], sizes = [1], strides = [1]} : vector<16xi32> to vector<1xi32>
        %squeeze3A_135 = vector.extract %slice3A_134[0] : i32 from vector<1xi32>
        %add3A_136 = arith.addi %while3A_101, %squeeze3A_135 : i32
        %while3A_137 = arith.constant 0 : i32
        %while3A_138 = arith.subi %add3A_136, %while3A_101 : i32
        %while3A_139 = arith.addi %while3A_101, %while3A_138 : i32
        %while3A_140 = arith.constant 1 : i32
        %while3A_141 = arith.divsi %while3A_138, %while3A_140 : i32
        %while3A_142 = arith.muli %while3A_141, %while3A_140 : i32
        %while3A_143 = arith.addi %while3A_101, %while3A_142 : i32
        %while3A_144 = arith.constant 1 : i32
        %while3A_145 = scf.for %while3A_160 = %while3A_101 to %while3A_143 step %while3A_144 iter_args(%while3A_161 = %while3A_137) -> (i32)  : i32 {
          %broadcast_in_dim3A_162 = vector.broadcast %while3A_160 : i32 to vector<16xi32>
          %gather3A = tpu.vector_load_idx %arg11[%broadcast_in_dim3A_162] : memref<32xi32, #tpu.memory_space<vmem>>[vector<16xi32>], vector<16xi32>,
          %ge3A_163 = arith.constant 16 : i32
          %ge3A_164 = arith.cmpi sge, %while3A_160, %ge3A_163 : i32
          %convert_element_type3A_165 = arith.extui %ge3A_164 : i1 to i32
          %add3A_166 = arith.addi %while3A_102, %convert_element_type3A_165 : i32
          %rem3A_167 = arith.constant 16 : i32
          %rem3A_168 = arith.remsi %add3A_166, %rem3A_167 : i32
          %mul3A_169 = arith.constant 16 : i32
          %mul3A_170 = arith.muli %mul3A_169, %rem3A_168 : i32
          %rem3A_171 = arith.constant 16 : i32
          %rem3A_172 = arith.remsi %while3A_160, %rem3A_171 : i32
          %add3A_173 = arith.addi %mul3A_170, %rem3A_172 : i32
          %broadcast_in_dim3A_174 = vector.broadcast %rem3A_84 : i32 to vector<16xi32>
          %add3A_175 = arith.constant 0 : i32
          %add3A_176 = vector.broadcast %add3A_175 : i32 to vector<16xi32>
          %add3A_177 = arith.addi %iota3A, %add3A_176 : vector<16xi32>
          %gather3A_178 = tpu.vector_load_idx %arg9[%broadcast_in_dim3A_174, %add3A_177, %gather3A] : memref<2x64x256xf32, #tpu.memory_space<vmem>>[vector<16xi32>, vector<16xi32>, vector<16xi32>], vector<16xf32>,
          %swap3A = arith.index_cast %add3A_173 : i32 to index
          %swap3A_179 = arith.constant 0 : index
          %swap3A_180 = tpu.vector_load %arg10[%swap3A, %swap3A_179] {strides = array<i32>} : memref<256x128xf32, #tpu.memory_space<vmem>>, vector<16xf32>,
          tpu.vector_store %arg10[%swap3A, %swap3A_179], %gather3A_178 {strides = array<i32>} : memref<256x128xf32, #tpu.memory_space<vmem>>, vector<16xf32>,
          %broadcast_in_dim3A_181 = vector.broadcast %rem3A_84 : i32 to vector<16xi32>
          %add3A_182 = arith.constant 16 : i32
          %add3A_183 = vector.broadcast %add3A_182 : i32 to vector<16xi32>
          %add3A_184 = arith.addi %iota3A, %add3A_183 : vector<16xi32>
          %gather3A_185 = tpu.vector_load_idx %arg9[%broadcast_in_dim3A_181, %add3A_184, %gather3A] : memref<2x64x256xf32, #tpu.memory_space<vmem>>[vector<16xi32>, vector<16xi32>, vector<16xi32>], vector<16xf32>,
          %swap3A_186 = arith.index_cast %add3A_173 : i32 to index
          %swap3A_187 = arith.constant 16 : index
          %swap3A_188 = tpu.vector_load %arg10[%swap3A_186, %swap3A_187] {strides = array<i32>} : memref<256x128xf32, #tpu.memory_space<vmem>>, vector<16xf32>,
          tpu.vector_store %arg10[%swap3A_186, %swap3A_187], %gather3A_185 {strides = array<i32>} : memref<256x128xf32, #tpu.memory_space<vmem>>, vector<16xf32>,
          %broadcast_in_dim3A_189 = vector.broadcast %rem3A_84 : i32 to vector<16xi32>
          %add3A_190 = arith.constant 32 : i32
          %add3A_191 = vector.broadcast %add3A_190 : i32 to vector<16xi32>
          %add3A_192 = arith.addi %iota3A, %add3A_191 : vector<16xi32>
          %gather3A_193 = tpu.vector_load_idx %arg9[%broadcast_in_dim3A_189, %add3A_192, %gather3A] : memref<2x64x256xf32, #tpu.memory_space<vmem>>[vector<16xi32>, vector<16xi32>, vector<16xi32>], vector<16xf32>,
          %swap3A_194 = arith.index_cast %add3A_173 : i32 to index
          %swap3A_195 = arith.constant 32 : index
          %swap3A_196 = tpu.vector_load %arg10[%swap3A_194, %swap3A_195] {strides = array<i32>} : memref<256x128xf32, #tpu.memory_space<vmem>>, vector<16xf32>,
          tpu.vector_store %arg10[%swap3A_194, %swap3A_195], %gather3A_193 {strides = array<i32>} : memref<256x128xf32, #tpu.memory_space<vmem>>, vector<16xf32>,
          %broadcast_in_dim3A_197 = vector.broadcast %rem3A_84 : i32 to vector<16xi32>
          %add3A_198 = arith.constant 48 : i32
          %add3A_199 = vector.broadcast %add3A_198 : i32 to vector<16xi32>
          %add3A_200 = arith.addi %iota3A, %add3A_199 : vector<16xi32>
          %gather3A_201 = tpu.vector_load_idx %arg9[%broadcast_in_dim3A_197, %add3A_200, %gather3A] : memref<2x64x256xf32, #tpu.memory_space<vmem>>[vector<16xi32>, vector<16xi32>, vector<16xi32>], vector<16xf32>,
          %swap3A_202 = arith.index_cast %add3A_173 : i32 to index
          %swap3A_203 = arith.constant 48 : index
          %swap3A_204 = tpu.vector_load %arg10[%swap3A_202, %swap3A_203] {strides = array<i32>} : memref<256x128xf32, #tpu.memory_space<vmem>>, vector<16xf32>,
          tpu.vector_store %arg10[%swap3A_202, %swap3A_203], %gather3A_201 {strides = array<i32>} : memref<256x128xf32, #tpu.memory_space<vmem>>, vector<16xf32>,
          %while3A_205 = arith.constant 0 : i32
          scf.yield %while3A_205 : i32
        }
        %while3A_146 = arith.constant 1 : i32
        %while3A_147 = scf.for %while3A_160 = %while3A_143 to %while3A_139 step %while3A_146 iter_args(%while3A_161 = %while3A_145) -> (i32)  : i32 {
          %broadcast_in_dim3A_162 = vector.broadcast %while3A_160 : i32 to vector<16xi32>
          %gather3A = tpu.vector_load_idx %arg11[%broadcast_in_dim3A_162] : memref<32xi32, #tpu.memory_space<vmem>>[vector<16xi32>], vector<16xi32>,
          %ge3A_163 = arith.constant 16 : i32
          %ge3A_164 = arith.cmpi sge, %while3A_160, %ge3A_163 : i32
          %convert_element_type3A_165 = arith.extui %ge3A_164 : i1 to i32
          %add3A_166 = arith.addi %while3A_102, %convert_element_type3A_165 : i32
          %rem3A_167 = arith.constant 16 : i32
          %rem3A_168 = arith.remsi %add3A_166, %rem3A_167 : i32
          %mul3A_169 = arith.constant 16 : i32
          %mul3A_170 = arith.muli %mul3A_169, %rem3A_168 : i32
          %rem3A_171 = arith.constant 16 : i32
          %rem3A_172 = arith.remsi %while3A_160, %rem3A_171 : i32
          %add3A_173 = arith.addi %mul3A_170, %rem3A_172 : i32
          %broadcast_in_dim3A_174 = vector.broadcast %rem3A_84 : i32 to vector<16xi32>
          %add3A_175 = arith.constant 0 : i32
          %add3A_176 = vector.broadcast %add3A_175 : i32 to vector<16xi32>
          %add3A_177 = arith.addi %iota3A, %add3A_176 : vector<16xi32>
          %gather3A_178 = tpu.vector_load_idx %arg9[%broadcast_in_dim3A_174, %add3A_177, %gather3A] : memref<2x64x256xf32, #tpu.memory_space<vmem>>[vector<16xi32>, vector<16xi32>, vector<16xi32>], vector<16xf32>,
          %swap3A = arith.index_cast %add3A_173 : i32 to index
          %swap3A_179 = arith.constant 0 : index
          %swap3A_180 = tpu.vector_load %arg10[%swap3A, %swap3A_179] {strides = array<i32>} : memref<256x128xf32, #tpu.memory_space<vmem>>, vector<16xf32>,
          tpu.vector_store %arg10[%swap3A, %swap3A_179], %gather3A_178 {strides = array<i32>} : memref<256x128xf32, #tpu.memory_space<vmem>>, vector<16xf32>,
          %broadcast_in_dim3A_181 = vector.broadcast %rem3A_84 : i32 to vector<16xi32>
          %add3A_182 = arith.constant 16 : i32
          %add3A_183 = vector.broadcast %add3A_182 : i32 to vector<16xi32>
          %add3A_184 = arith.addi %iota3A, %add3A_183 : vector<16xi32>
          %gather3A_185 = tpu.vector_load_idx %arg9[%broadcast_in_dim3A_181, %add3A_184, %gather3A] : memref<2x64x256xf32, #tpu.memory_space<vmem>>[vector<16xi32>, vector<16xi32>, vector<16xi32>], vector<16xf32>,
          %swap3A_186 = arith.index_cast %add3A_173 : i32 to index
          %swap3A_187 = arith.constant 16 : index
          %swap3A_188 = tpu.vector_load %arg10[%swap3A_186, %swap3A_187] {strides = array<i32>} : memref<256x128xf32, #tpu.memory_space<vmem>>, vector<16xf32>,
          tpu.vector_store %arg10[%swap3A_186, %swap3A_187], %gather3A_185 {strides = array<i32>} : memref<256x128xf32, #tpu.memory_space<vmem>>, vector<16xf32>,
          %broadcast_in_dim3A_189 = vector.broadcast %rem3A_84 : i32 to vector<16xi32>
          %add3A_190 = arith.constant 32 : i32
          %add3A_191 = vector.broadcast %add3A_190 : i32 to vector<16xi32>
          %add3A_192 = arith.addi %iota3A, %add3A_191 : vector<16xi32>
          %gather3A_193 = tpu.vector_load_idx %arg9[%broadcast_in_dim3A_189, %add3A_192, %gather3A] : memref<2x64x256xf32, #tpu.memory_space<vmem>>[vector<16xi32>, vector<16xi32>, vector<16xi32>], vector<16xf32>,
          %swap3A_194 = arith.index_cast %add3A_173 : i32 to index
          %swap3A_195 = arith.constant 32 : index
          %swap3A_196 = tpu.vector_load %arg10[%swap3A_194, %swap3A_195] {strides = array<i32>} : memref<256x128xf32, #tpu.memory_space<vmem>>, vector<16xf32>,
          tpu.vector_store %arg10[%swap3A_194, %swap3A_195], %gather3A_193 {strides = array<i32>} : memref<256x128xf32, #tpu.memory_space<vmem>>, vector<16xf32>,
          %broadcast_in_dim3A_197 = vector.broadcast %rem3A_84 : i32 to vector<16xi32>
          %add3A_198 = arith.constant 48 : i32
          %add3A_199 = vector.broadcast %add3A_198 : i32 to vector<16xi32>
          %add3A_200 = arith.addi %iota3A, %add3A_199 : vector<16xi32>
          %gather3A_201 = tpu.vector_load_idx %arg9[%broadcast_in_dim3A_197, %add3A_200, %gather3A] : memref<2x64x256xf32, #tpu.memory_space<vmem>>[vector<16xi32>, vector<16xi32>, vector<16xi32>], vector<16xf32>,
          %swap3A_202 = arith.index_cast %add3A_173 : i32 to index
          %swap3A_203 = arith.constant 48 : index
          %swap3A_204 = tpu.vector_load %arg10[%swap3A_202, %swap3A_203] {strides = array<i32>} : memref<256x128xf32, #tpu.memory_space<vmem>>, vector<16xf32>,
          tpu.vector_store %arg10[%swap3A_202, %swap3A_203], %gather3A_201 {strides = array<i32>} : memref<256x128xf32, #tpu.memory_space<vmem>>, vector<16xf32>,
          %while3A_205 = arith.constant 0 : i32
          scf.yield %while3A_205 : i32
        }
        %add3A_148 = arith.addi %while3A_101, %squeeze3A_135 : i32
        %ge3A_149 = arith.constant 16 : i32
        %ge3A_150 = arith.cmpi sge, %add3A_148, %ge3A_149 : i32
        %convert_element_type3A_151 = arith.extui %ge3A_150 : i1 to i32
        %cond3A_152 = arith.constant 0 : i32
        %cond3A_153 = arith.cmpi ne, %convert_element_type3A_151, %cond3A_152 : i32
        scf.if %cond3A_153 {
          %rem3A_160 = arith.constant 16 : i32
          %rem3A_161 = arith.remsi %while3A_102, %rem3A_160 : i32
          %mul3A_162 = arith.constant 16 : i32
          %mul3A_163 = arith.muli %mul3A_162, %rem3A_161 : i32
          %multiple_of3A_164 = tpu.assume_multiple %mul3A_163, 16 : i32
          %dma_start3A = arith.constant 0 : i32
          %dma_start3A_165 = arith.constant 0 : i32
          %dma_start3A_166 = tpu.memref_slice %arg10[%multiple_of3A_164, %dma_start3A_165] : memref<256x128xf32, #tpu.memory_space<vmem>> -> memref<16x128xf32, #tpu.memory_space<vmem>>
          %dma_start3A_167 = arith.constant 0 : i32
          %dma_start3A_168 = tpu.memref_slice %arg12[%dma_start3A, %dma_start3A_167] : memref<2x16xi32, #tpu.memory_space<vmem>> -> memref<1x16xi32, #tpu.memory_space<vmem>>
          %dma_start3A_169 = tpu.memref_squeeze %dma_start3A_168 : memref<1x16xi32, #tpu.memory_space<vmem>> -> memref<16xi32, #tpu.memory_space<vmem>>
          %dma_start3A_170 = arith.constant 0 : i32
          %dma_start3A_171 = arith.constant 0 : i32
          %dma_start3A_172 = tpu.memref_slice %arg5[%dma_start3A_170, %dma_start3A_171] : memref<16512x128xf32, #tpu.memory_space<hbm>> -> memref<16512x128xf32, #tpu.memory_space<hbm>>
          tpu.enqueue_indirect_dma source(%dma_start3A_166 : memref<16x128xf32, #tpu.memory_space<vmem>>) target(%dma_start3A_172 : memref<16512x128xf32, #tpu.memory_space<hbm>>) offsets(%dma_start3A_169 : memref<16xi32, #tpu.memory_space<vmem>>) semaphore(%arg14 : memref<!tpu.dma_semaphore, #tpu.memory_space<semaphore_mem>>)
          %dma_wait3A_173 = arith.constant 0 : i32
          %dma_wait3A_174 = arith.constant 0 : i32
          %dma_wait3A_175 = tpu.memref_slice %arg10[%multiple_of3A_164, %dma_wait3A_174] : memref<256x128xf32, #tpu.memory_space<vmem>> -> memref<16x128xf32, #tpu.memory_space<vmem>>
          %dma_wait3A_176 = arith.constant 0 : i32
          %dma_wait3A_177 = tpu.memref_slice %arg12[%dma_wait3A_173, %dma_wait3A_176] : memref<2x16xi32, #tpu.memory_space<vmem>> -> memref<1x16xi32, #tpu.memory_space<vmem>>
          %dma_wait3A_178 = tpu.memref_squeeze %dma_wait3A_177 : memref<1x16xi32, #tpu.memory_space<vmem>> -> memref<16xi32, #tpu.memory_space<vmem>>
          %dma_wait3A_179 = arith.constant 0 : i32
          %dma_wait3A_180 = arith.constant 0 : i32
          %dma_wait3A_181 = tpu.memref_slice %arg5[%dma_wait3A_179, %dma_wait3A_180] : memref<16512x128xf32, #tpu.memory_space<hbm>> -> memref<16512x128xf32, #tpu.memory_space<hbm>>
          tpu.wait_indirect_dma semaphore(%arg14 : memref<!tpu.dma_semaphore, #tpu.memory_space<semaphore_mem>>) src(%dma_wait3A_175 : memref<16x128xf32, #tpu.memory_space<vmem>>) dst(%dma_wait3A_181 : memref<16512x128xf32, #tpu.memory_space<hbm>>)
          %get3A_182 = arith.constant 1 : i32
          %get3A_183 = arith.index_cast %get3A_182 : i32 to index
          %get3A_184 = arith.constant 0 : index
          %get3A_185 = tpu.vector_load %arg12[%get3A_183, %get3A_184] {strides = array<i32>} : memref<2x16xi32, #tpu.memory_space<vmem>>, vector<16xi32>,
          %swap3A = arith.constant 0 : i32
          %swap3A_186 = arith.index_cast %swap3A : i32 to index
          %swap3A_187 = arith.constant 0 : index
          %swap3A_188 = tpu.vector_load %arg12[%swap3A_186, %swap3A_187] {strides = array<i32>} : memref<2x16xi32, #tpu.memory_space<vmem>>, vector<16xi32>,
          tpu.vector_store %arg12[%swap3A_186, %swap3A_187], %get3A_185 {strides = array<i32>} : memref<2x16xi32, #tpu.memory_space<vmem>>, vector<16xi32>,
          %get3A_189 = arith.constant 16 : index
          %get3A_190 = tpu.vector_load %arg11[%get3A_189] {strides = array<i32>} : memref<32xi32, #tpu.memory_space<vmem>>, vector<16xi32>,
          %swap3A_191 = arith.constant 0 : index
          %swap3A_192 = tpu.vector_load %arg11[%swap3A_191] {strides = array<i32>} : memref<32xi32, #tpu.memory_space<vmem>>, vector<16xi32>,
          tpu.vector_store %arg11[%swap3A_191], %get3A_190 {strides = array<i32>} : memref<32xi32, #tpu.memory_space<vmem>>, vector<16xi32>,
        } else {
        }
        %sub3A_154 = arith.constant 16 : i32
        %sub3A_155 = arith.subi %add3A_148, %sub3A_154 : i32
        %select_n3A_156 = arith.select %ge3A_150, %sub3A_155, %add3A_148 : i32
        %add3A_157 = arith.constant 1 : i32
        %add3A_158 = arith.addi %while3A_102, %add3A_157 : i32
        %select_n3A_159 = arith.select %ge3A_150, %add3A_158, %while3A_102 : i32
        scf.yield %select_n3A_156, %select_n3A_159 : i32, i32
      }
      %while3A_98 = arith.constant 1 : i32
      %while3A_99:2 = scf.for %while3A_100 = %while3A_95 to %while3A_91 step %while3A_98 iter_args(%while3A_101 = %while3A_97#0, %while3A_102 = %while3A_97#1) -> (i32, i32)  : i32 {
        %mul3A_103 = arith.constant 16 : i32
        %mul3A_104 = arith.muli %mul3A_103, %while3A_100 : i32
        %get3A = arith.index_cast %mul3A_104 : i32 to index
        %get3A_105 = tpu.vector_load %arg7[%get3A] {strides = array<i32>} : memref<16384xi32, #tpu.memory_space<vmem>>, vector<16xi32>,
        %mul3A_106 = arith.constant 16 : i32
        %mul3A_107 = arith.muli %mul3A_106, %while3A_100 : i32
        %get3A_108 = arith.index_cast %mul3A_107 : i32 to index
        %get3A_109 = tpu.vector_load %arg8[%get3A_108] {strides = array<i32>} : memref<16384xi32, #tpu.memory_space<vmem>>, vector<16xi32>,
        %ge3A = vector.broadcast %mul3A_80 : i32 to vector<16xi32>
        %ge3A_110 = arith.cmpi sge, %get3A_105, %ge3A : vector<16xi32>
        %lt3A_111 = vector.broadcast %add3A_82 : i32 to vector<16xi32>
        %lt3A_112 = arith.cmpi slt, %get3A_105, %lt3A_111 : vector<16xi32>
        %and3A = arith.andi %ge3A_110, %lt3A_112 : vector<16xi1>
        %mul3A_113 = arith.constant 16 : i32
        %mul3A_114 = arith.muli %mul3A_113, %while3A_100 : i32
        %add3A_115 = vector.broadcast %mul3A_114 : i32 to vector<16xi32>
        %add3A_116 = arith.addi %iota3A, %add3A_115 : vector<16xi32>
        %lt3A_117 = vector.broadcast %squeeze3A : i32 to vector<16xi32>
        %lt3A_118 = arith.cmpi slt, %add3A_116, %lt3A_117 : vector<16xi32>
        %and3A_119 = arith.andi %and3A, %lt3A_118 : vector<16xi1>
        %convert_element_type3A_120 = arith.extui %and3A_119 : vector<16xi1> to vector<16xi32>
        %broadcast_in_dim3A_121 = vector.broadcast %while3A_101 : i32 to vector<16xi32>
        %broadcast_in_dim3A_122 = arith.constant true
        %broadcast_in_dim3A_123 = vector.broadcast %broadcast_in_dim3A_122 : i1 to vector<16xi1>
        %masked_cumsum3A = tpu.scan <sum>, %convert_element_type3A_120 masked %broadcast_in_dim3A_123 : vector<16xi32>, vector<16xi1> -> vector<16xi32>
        %add3A_124 = arith.addi %broadcast_in_dim3A_121, %masked_cumsum3A : vector<16xi32>
        %sub3A_125 = arith.subi %add3A_124, %convert_element_type3A_120 : vector<16xi32>
        %sub3A_126 = vector.broadcast %mul3A_80 : i32 to vector<16xi32>
        %sub3A_127 = arith.subi %get3A_105, %sub3A_126 : vector<16xi32>
        tpu.vector_store_idx %arg11[%sub3A_125], %sub3A_127 masked %and3A_119 : memref<32xi32, #tpu.memory_space<vmem>>[vector<16xi32>], vector<16xi32>, vector<16xi1>
        %shift_right_arithmetic3A_128 = arith.constant 4 : i32
        %shift_right_arithmetic3A_129 = vector.broadcast %shift_right_arithmetic3A_128 : i32 to vector<16xi32>
        %shift_right_arithmetic3A_130 = arith.shrsi %sub3A_125, %shift_right_arithmetic3A_129 : vector<16xi32>
        %and3A_131 = arith.constant 15 : i32
        %and3A_132 = vector.broadcast %and3A_131 : i32 to vector<16xi32>
        %and3A_133 = arith.andi %sub3A_125, %and3A_132 : vector<16xi32>
        tpu.vector_store_idx %arg12[%shift_right_arithmetic3A_130, %and3A_133], %get3A_109 masked %and3A_119 : memref<2x16xi32, #tpu.memory_space<vmem>>[vector<16xi32>, vector<16xi32>], vector<16xi32>, vector<16xi1>
        %all_reduce_population_count3A = tpu.all_reduce %and3A_119 {dim = 0 : i64, kind = #tpu.reduction_kind<sum>} : vector<16xi1> -> vector<16xi32>
        %slice3A_134 = vector.extract_strided_slice %all_reduce_population_count3A {offsets = [0], sizes = [1], strides = [1]} : vector<16xi32> to vector<1xi32>
        %squeeze3A_135 = vector.extract %slice3A_134[0] : i32 from vector<1xi32>
        %add3A_136 = arith.addi %while3A_101, %squeeze3A_135 : i32
        %while3A_137 = arith.constant 0 : i32
        %while3A_138 = arith.subi %add3A_136, %while3A_101 : i32
        %while3A_139 = arith.addi %while3A_101, %while3A_138 : i32
        %while3A_140 = arith.constant 1 : i32
        %while3A_141 = arith.divsi %while3A_138, %while3A_140 : i32
        %while3A_142 = arith.muli %while3A_141, %while3A_140 : i32
        %while3A_143 = arith.addi %while3A_101, %while3A_142 : i32
        %while3A_144 = arith.constant 1 : i32
        %while3A_145 = scf.for %while3A_160 = %while3A_101 to %while3A_143 step %while3A_144 iter_args(%while3A_161 = %while3A_137) -> (i32)  : i32 {
          %broadcast_in_dim3A_162 = vector.broadcast %while3A_160 : i32 to vector<16xi32>
          %gather3A = tpu.vector_load_idx %arg11[%broadcast_in_dim3A_162] : memref<32xi32, #tpu.memory_space<vmem>>[vector<16xi32>], vector<16xi32>,
          %ge3A_163 = arith.constant 16 : i32
          %ge3A_164 = arith.cmpi sge, %while3A_160, %ge3A_163 : i32
          %convert_element_type3A_165 = arith.extui %ge3A_164 : i1 to i32
          %add3A_166 = arith.addi %while3A_102, %convert_element_type3A_165 : i32
          %rem3A_167 = arith.constant 16 : i32
          %rem3A_168 = arith.remsi %add3A_166, %rem3A_167 : i32
          %mul3A_169 = arith.constant 16 : i32
          %mul3A_170 = arith.muli %mul3A_169, %rem3A_168 : i32
          %rem3A_171 = arith.constant 16 : i32
          %rem3A_172 = arith.remsi %while3A_160, %rem3A_171 : i32
          %add3A_173 = arith.addi %mul3A_170, %rem3A_172 : i32
          %broadcast_in_dim3A_174 = vector.broadcast %rem3A_84 : i32 to vector<16xi32>
          %add3A_175 = arith.constant 0 : i32
          %add3A_176 = vector.broadcast %add3A_175 : i32 to vector<16xi32>
          %add3A_177 = arith.addi %iota3A, %add3A_176 : vector<16xi32>
          %gather3A_178 = tpu.vector_load_idx %arg9[%broadcast_in_dim3A_174, %add3A_177, %gather3A] : memref<2x64x256xf32, #tpu.memory_space<vmem>>[vector<16xi32>, vector<16xi32>, vector<16xi32>], vector<16xf32>,
          %swap3A = arith.index_cast %add3A_173 : i32 to index
          %swap3A_179 = arith.constant 0 : index
          %swap3A_180 = tpu.vector_load %arg10[%swap3A, %swap3A_179] {strides = array<i32>} : memref<256x128xf32, #tpu.memory_space<vmem>>, vector<16xf32>,
          tpu.vector_store %arg10[%swap3A, %swap3A_179], %gather3A_178 {strides = array<i32>} : memref<256x128xf32, #tpu.memory_space<vmem>>, vector<16xf32>,
          %broadcast_in_dim3A_181 = vector.broadcast %rem3A_84 : i32 to vector<16xi32>
          %add3A_182 = arith.constant 16 : i32
          %add3A_183 = vector.broadcast %add3A_182 : i32 to vector<16xi32>
          %add3A_184 = arith.addi %iota3A, %add3A_183 : vector<16xi32>
          %gather3A_185 = tpu.vector_load_idx %arg9[%broadcast_in_dim3A_181, %add3A_184, %gather3A] : memref<2x64x256xf32, #tpu.memory_space<vmem>>[vector<16xi32>, vector<16xi32>, vector<16xi32>], vector<16xf32>,
          %swap3A_186 = arith.index_cast %add3A_173 : i32 to index
          %swap3A_187 = arith.constant 16 : index
          %swap3A_188 = tpu.vector_load %arg10[%swap3A_186, %swap3A_187] {strides = array<i32>} : memref<256x128xf32, #tpu.memory_space<vmem>>, vector<16xf32>,
          tpu.vector_store %arg10[%swap3A_186, %swap3A_187], %gather3A_185 {strides = array<i32>} : memref<256x128xf32, #tpu.memory_space<vmem>>, vector<16xf32>,
          %broadcast_in_dim3A_189 = vector.broadcast %rem3A_84 : i32 to vector<16xi32>
          %add3A_190 = arith.constant 32 : i32
          %add3A_191 = vector.broadcast %add3A_190 : i32 to vector<16xi32>
          %add3A_192 = arith.addi %iota3A, %add3A_191 : vector<16xi32>
          %gather3A_193 = tpu.vector_load_idx %arg9[%broadcast_in_dim3A_189, %add3A_192, %gather3A] : memref<2x64x256xf32, #tpu.memory_space<vmem>>[vector<16xi32>, vector<16xi32>, vector<16xi32>], vector<16xf32>,
          %swap3A_194 = arith.index_cast %add3A_173 : i32 to index
          %swap3A_195 = arith.constant 32 : index
          %swap3A_196 = tpu.vector_load %arg10[%swap3A_194, %swap3A_195] {strides = array<i32>} : memref<256x128xf32, #tpu.memory_space<vmem>>, vector<16xf32>,
          tpu.vector_store %arg10[%swap3A_194, %swap3A_195], %gather3A_193 {strides = array<i32>} : memref<256x128xf32, #tpu.memory_space<vmem>>, vector<16xf32>,
          %broadcast_in_dim3A_197 = vector.broadcast %rem3A_84 : i32 to vector<16xi32>
          %add3A_198 = arith.constant 48 : i32
          %add3A_199 = vector.broadcast %add3A_198 : i32 to vector<16xi32>
          %add3A_200 = arith.addi %iota3A, %add3A_199 : vector<16xi32>
          %gather3A_201 = tpu.vector_load_idx %arg9[%broadcast_in_dim3A_197, %add3A_200, %gather3A] : memref<2x64x256xf32, #tpu.memory_space<vmem>>[vector<16xi32>, vector<16xi32>, vector<16xi32>], vector<16xf32>,
          %swap3A_202 = arith.index_cast %add3A_173 : i32 to index
          %swap3A_203 = arith.constant 48 : index
          %swap3A_204 = tpu.vector_load %arg10[%swap3A_202, %swap3A_203] {strides = array<i32>} : memref<256x128xf32, #tpu.memory_space<vmem>>, vector<16xf32>,
          tpu.vector_store %arg10[%swap3A_202, %swap3A_203], %gather3A_201 {strides = array<i32>} : memref<256x128xf32, #tpu.memory_space<vmem>>, vector<16xf32>,
          %while3A_205 = arith.constant 0 : i32
          scf.yield %while3A_205 : i32
        }
        %while3A_146 = arith.constant 1 : i32
        %while3A_147 = scf.for %while3A_160 = %while3A_143 to %while3A_139 step %while3A_146 iter_args(%while3A_161 = %while3A_145) -> (i32)  : i32 {
          %broadcast_in_dim3A_162 = vector.broadcast %while3A_160 : i32 to vector<16xi32>
          %gather3A = tpu.vector_load_idx %arg11[%broadcast_in_dim3A_162] : memref<32xi32, #tpu.memory_space<vmem>>[vector<16xi32>], vector<16xi32>,
          %ge3A_163 = arith.constant 16 : i32
          %ge3A_164 = arith.cmpi sge, %while3A_160, %ge3A_163 : i32
          %convert_element_type3A_165 = arith.extui %ge3A_164 : i1 to i32
          %add3A_166 = arith.addi %while3A_102, %convert_element_type3A_165 : i32
          %rem3A_167 = arith.constant 16 : i32
          %rem3A_168 = arith.remsi %add3A_166, %rem3A_167 : i32
          %mul3A_169 = arith.constant 16 : i32
          %mul3A_170 = arith.muli %mul3A_169, %rem3A_168 : i32
          %rem3A_171 = arith.constant 16 : i32
          %rem3A_172 = arith.remsi %while3A_160, %rem3A_171 : i32
          %add3A_173 = arith.addi %mul3A_170, %rem3A_172 : i32
          %broadcast_in_dim3A_174 = vector.broadcast %rem3A_84 : i32 to vector<16xi32>
          %add3A_175 = arith.constant 0 : i32
          %add3A_176 = vector.broadcast %add3A_175 : i32 to vector<16xi32>
          %add3A_177 = arith.addi %iota3A, %add3A_176 : vector<16xi32>
          %gather3A_178 = tpu.vector_load_idx %arg9[%broadcast_in_dim3A_174, %add3A_177, %gather3A] : memref<2x64x256xf32, #tpu.memory_space<vmem>>[vector<16xi32>, vector<16xi32>, vector<16xi32>], vector<16xf32>,
          %swap3A = arith.index_cast %add3A_173 : i32 to index
          %swap3A_179 = arith.constant 0 : index
          %swap3A_180 = tpu.vector_load %arg10[%swap3A, %swap3A_179] {strides = array<i32>} : memref<256x128xf32, #tpu.memory_space<vmem>>, vector<16xf32>,
          tpu.vector_store %arg10[%swap3A, %swap3A_179], %gather3A_178 {strides = array<i32>} : memref<256x128xf32, #tpu.memory_space<vmem>>, vector<16xf32>,
          %broadcast_in_dim3A_181 = vector.broadcast %rem3A_84 : i32 to vector<16xi32>
          %add3A_182 = arith.constant 16 : i32
          %add3A_183 = vector.broadcast %add3A_182 : i32 to vector<16xi32>
          %add3A_184 = arith.addi %iota3A, %add3A_183 : vector<16xi32>
          %gather3A_185 = tpu.vector_load_idx %arg9[%broadcast_in_dim3A_181, %add3A_184, %gather3A] : memref<2x64x256xf32, #tpu.memory_space<vmem>>[vector<16xi32>, vector<16xi32>, vector<16xi32>], vector<16xf32>,
          %swap3A_186 = arith.index_cast %add3A_173 : i32 to index
          %swap3A_187 = arith.constant 16 : index
          %swap3A_188 = tpu.vector_load %arg10[%swap3A_186, %swap3A_187] {strides = array<i32>} : memref<256x128xf32, #tpu.memory_space<vmem>>, vector<16xf32>,
          tpu.vector_store %arg10[%swap3A_186, %swap3A_187], %gather3A_185 {strides = array<i32>} : memref<256x128xf32, #tpu.memory_space<vmem>>, vector<16xf32>,
          %broadcast_in_dim3A_189 = vector.broadcast %rem3A_84 : i32 to vector<16xi32>
          %add3A_190 = arith.constant 32 : i32
          %add3A_191 = vector.broadcast %add3A_190 : i32 to vector<16xi32>
          %add3A_192 = arith.addi %iota3A, %add3A_191 : vector<16xi32>
          %gather3A_193 = tpu.vector_load_idx %arg9[%broadcast_in_dim3A_189, %add3A_192, %gather3A] : memref<2x64x256xf32, #tpu.memory_space<vmem>>[vector<16xi32>, vector<16xi32>, vector<16xi32>], vector<16xf32>,
          %swap3A_194 = arith.index_cast %add3A_173 : i32 to index
          %swap3A_195 = arith.constant 32 : index
          %swap3A_196 = tpu.vector_load %arg10[%swap3A_194, %swap3A_195] {strides = array<i32>} : memref<256x128xf32, #tpu.memory_space<vmem>>, vector<16xf32>,
          tpu.vector_store %arg10[%swap3A_194, %swap3A_195], %gather3A_193 {strides = array<i32>} : memref<256x128xf32, #tpu.memory_space<vmem>>, vector<16xf32>,
          %broadcast_in_dim3A_197 = vector.broadcast %rem3A_84 : i32 to vector<16xi32>
          %add3A_198 = arith.constant 48 : i32
          %add3A_199 = vector.broadcast %add3A_198 : i32 to vector<16xi32>
          %add3A_200 = arith.addi %iota3A, %add3A_199 : vector<16xi32>
          %gather3A_201 = tpu.vector_load_idx %arg9[%broadcast_in_dim3A_197, %add3A_200, %gather3A] : memref<2x64x256xf32, #tpu.memory_space<vmem>>[vector<16xi32>, vector<16xi32>, vector<16xi32>], vector<16xf32>,
          %swap3A_202 = arith.index_cast %add3A_173 : i32 to index
          %swap3A_203 = arith.constant 48 : index
          %swap3A_204 = tpu.vector_load %arg10[%swap3A_202, %swap3A_203] {strides = array<i32>} : memref<256x128xf32, #tpu.memory_space<vmem>>, vector<16xf32>,
          tpu.vector_store %arg10[%swap3A_202, %swap3A_203], %gather3A_201 {strides = array<i32>} : memref<256x128xf32, #tpu.memory_space<vmem>>, vector<16xf32>,
          %while3A_205 = arith.constant 0 : i32
          scf.yield %while3A_205 : i32
        }
        %add3A_148 = arith.addi %while3A_101, %squeeze3A_135 : i32
        %ge3A_149 = arith.constant 16 : i32
        %ge3A_150 = arith.cmpi sge, %add3A_148, %ge3A_149 : i32
        %convert_element_type3A_151 = arith.extui %ge3A_150 : i1 to i32
        %cond3A_152 = arith.constant 0 : i32
        %cond3A_153 = arith.cmpi ne, %convert_element_type3A_151, %cond3A_152 : i32
        scf.if %cond3A_153 {
          %rem3A_160 = arith.constant 16 : i32
          %rem3A_161 = arith.remsi %while3A_102, %rem3A_160 : i32
          %mul3A_162 = arith.constant 16 : i32
          %mul3A_163 = arith.muli %mul3A_162, %rem3A_161 : i32
          %multiple_of3A_164 = tpu.assume_multiple %mul3A_163, 16 : i32
          %dma_start3A = arith.constant 0 : i32
          %dma_start3A_165 = arith.constant 0 : i32
          %dma_start3A_166 = tpu.memref_slice %arg10[%multiple_of3A_164, %dma_start3A_165] : memref<256x128xf32, #tpu.memory_space<vmem>> -> memref<16x128xf32, #tpu.memory_space<vmem>>
          %dma_start3A_167 = arith.constant 0 : i32
          %dma_start3A_168 = tpu.memref_slice %arg12[%dma_start3A, %dma_start3A_167] : memref<2x16xi32, #tpu.memory_space<vmem>> -> memref<1x16xi32, #tpu.memory_space<vmem>>
          %dma_start3A_169 = tpu.memref_squeeze %dma_start3A_168 : memref<1x16xi32, #tpu.memory_space<vmem>> -> memref<16xi32, #tpu.memory_space<vmem>>
          %dma_start3A_170 = arith.constant 0 : i32
          %dma_start3A_171 = arith.constant 0 : i32
          %dma_start3A_172 = tpu.memref_slice %arg5[%dma_start3A_170, %dma_start3A_171] : memref<16512x128xf32, #tpu.memory_space<hbm>> -> memref<16512x128xf32, #tpu.memory_space<hbm>>
          tpu.enqueue_indirect_dma source(%dma_start3A_166 : memref<16x128xf32, #tpu.memory_space<vmem>>) target(%dma_start3A_172 : memref<16512x128xf32, #tpu.memory_space<hbm>>) offsets(%dma_start3A_169 : memref<16xi32, #tpu.memory_space<vmem>>) semaphore(%arg14 : memref<!tpu.dma_semaphore, #tpu.memory_space<semaphore_mem>>)
          %dma_wait3A_173 = arith.constant 0 : i32
          %dma_wait3A_174 = arith.constant 0 : i32
          %dma_wait3A_175 = tpu.memref_slice %arg10[%multiple_of3A_164, %dma_wait3A_174] : memref<256x128xf32, #tpu.memory_space<vmem>> -> memref<16x128xf32, #tpu.memory_space<vmem>>
          %dma_wait3A_176 = arith.constant 0 : i32
          %dma_wait3A_177 = tpu.memref_slice %arg12[%dma_wait3A_173, %dma_wait3A_176] : memref<2x16xi32, #tpu.memory_space<vmem>> -> memref<1x16xi32, #tpu.memory_space<vmem>>
          %dma_wait3A_178 = tpu.memref_squeeze %dma_wait3A_177 : memref<1x16xi32, #tpu.memory_space<vmem>> -> memref<16xi32, #tpu.memory_space<vmem>>
          %dma_wait3A_179 = arith.constant 0 : i32
          %dma_wait3A_180 = arith.constant 0 : i32
          %dma_wait3A_181 = tpu.memref_slice %arg5[%dma_wait3A_179, %dma_wait3A_180] : memref<16512x128xf32, #tpu.memory_space<hbm>> -> memref<16512x128xf32, #tpu.memory_space<hbm>>
          tpu.wait_indirect_dma semaphore(%arg14 : memref<!tpu.dma_semaphore, #tpu.memory_space<semaphore_mem>>) src(%dma_wait3A_175 : memref<16x128xf32, #tpu.memory_space<vmem>>) dst(%dma_wait3A_181 : memref<16512x128xf32, #tpu.memory_space<hbm>>)
          %get3A_182 = arith.constant 1 : i32
          %get3A_183 = arith.index_cast %get3A_182 : i32 to index
          %get3A_184 = arith.constant 0 : index
          %get3A_185 = tpu.vector_load %arg12[%get3A_183, %get3A_184] {strides = array<i32>} : memref<2x16xi32, #tpu.memory_space<vmem>>, vector<16xi32>,
          %swap3A = arith.constant 0 : i32
          %swap3A_186 = arith.index_cast %swap3A : i32 to index
          %swap3A_187 = arith.constant 0 : index
          %swap3A_188 = tpu.vector_load %arg12[%swap3A_186, %swap3A_187] {strides = array<i32>} : memref<2x16xi32, #tpu.memory_space<vmem>>, vector<16xi32>,
          tpu.vector_store %arg12[%swap3A_186, %swap3A_187], %get3A_185 {strides = array<i32>} : memref<2x16xi32, #tpu.memory_space<vmem>>, vector<16xi32>,
          %get3A_189 = arith.constant 16 : index
          %get3A_190 = tpu.vector_load %arg11[%get3A_189] {strides = array<i32>} : memref<32xi32, #tpu.memory_space<vmem>>, vector<16xi32>,
          %swap3A_191 = arith.constant 0 : index
          %swap3A_192 = tpu.vector_load %arg11[%swap3A_191] {strides = array<i32>} : memref<32xi32, #tpu.memory_space<vmem>>, vector<16xi32>,
          tpu.vector_store %arg11[%swap3A_191], %get3A_190 {strides = array<i32>} : memref<32xi32, #tpu.memory_space<vmem>>, vector<16xi32>,
        } else {
        }
        %sub3A_154 = arith.constant 16 : i32
        %sub3A_155 = arith.subi %add3A_148, %sub3A_154 : i32
        %select_n3A_156 = arith.select %ge3A_150, %sub3A_155, %add3A_148 : i32
        %add3A_157 = arith.constant 1 : i32
        %add3A_158 = arith.addi %while3A_102, %add3A_157 : i32
        %select_n3A_159 = arith.select %ge3A_150, %add3A_158, %while3A_102 : i32
        scf.yield %select_n3A_156, %select_n3A_159 : i32, i32
      }
      scf.yield %while3A_99#0, %while3A_99#1 : i32, i32
    }
    %run_scoped3A = arith.constant 0 : i32
    "tpu.region"() ({
      %run_scoped3A_55 = tpu.sem_alloc : memref<!tpu.dma_semaphore, #tpu.memory_space<semaphore_mem>>
      %dma_start3A = arith.constant 0 : i32
      %dma_start3A_56 = arith.constant 0 : i32
      %dma_start3A_57 = tpu.memref_slice %arg9[%run_scoped3A, %dma_start3A, %dma_start3A_56] : memref<2x64x256xf32, #tpu.memory_space<vmem>> -> memref<1x64x128xf32, #tpu.memory_space<vmem>>
      %dma_start3A_58 = tpu.memref_squeeze %dma_start3A_57 : memref<1x64x128xf32, #tpu.memory_space<vmem>> -> memref<64x128xf32, #tpu.memory_space<vmem>>
      %dma_start3A_59 = arith.constant 0 : i32
      %dma_start3A_60 = arith.constant 0 : i32
      %dma_start3A_61 = tpu.memref_slice %arg9[%run_scoped3A, %dma_start3A_59, %dma_start3A_60] : memref<2x64x256xf32, #tpu.memory_space<vmem>> -> memref<1x64x128xf32, #tpu.memory_space<vmem>>
      %dma_start3A_62 = tpu.memref_squeeze %dma_start3A_61 : memref<1x64x128xf32, #tpu.memory_space<vmem>> -> memref<64x128xf32, #tpu.memory_space<vmem>>
      tpu.enqueue_dma source(%arg4 : memref<64x128xf32, #tpu.memory_space<hbm>>) target(%dma_start3A_62 : memref<64x128xf32, #tpu.memory_space<vmem>>) target_semaphore(%run_scoped3A_55 : memref<!tpu.dma_semaphore, #tpu.memory_space<semaphore_mem>>)
      %dma_wait3A = arith.constant 0 : i32
      %dma_wait3A_63 = arith.constant 0 : i32
      %dma_wait3A_64 = tpu.memref_slice %arg9[%run_scoped3A, %dma_wait3A, %dma_wait3A_63] : memref<2x64x256xf32, #tpu.memory_space<vmem>> -> memref<1x64x128xf32, #tpu.memory_space<vmem>>
      %dma_wait3A_65 = tpu.memref_squeeze %dma_wait3A_64 : memref<1x64x128xf32, #tpu.memory_space<vmem>> -> memref<64x128xf32, #tpu.memory_space<vmem>>
      %dma_wait3A_66 = arith.constant 0 : i32
      %dma_wait3A_67 = arith.constant 0 : i32
      %dma_wait3A_68 = tpu.memref_slice %arg9[%run_scoped3A, %dma_wait3A_66, %dma_wait3A_67] : memref<2x64x256xf32, #tpu.memory_space<vmem>> -> memref<1x64x128xf32, #tpu.memory_space<vmem>>
      %dma_wait3A_69 = tpu.memref_squeeze %dma_wait3A_68 : memref<1x64x128xf32, #tpu.memory_space<vmem>> -> memref<64x128xf32, #tpu.memory_space<vmem>>
      tpu.wait_dma2 semaphore(%run_scoped3A_55 : memref<!tpu.dma_semaphore, #tpu.memory_space<semaphore_mem>>) src(%arg4 : memref<64x128xf32, #tpu.memory_space<hbm>>) dst(%dma_wait3A_69 : memref<64x128xf32, #tpu.memory_space<vmem>>)
      tpu.yield
    }) : () -> ()
    %add3A_33 = arith.constant 15 : i32
    %add3A_34 = arith.addi %squeeze3A, %add3A_33 : i32
    %shift_right_arithmetic3A = arith.constant 4 : i32
    %shift_right_arithmetic3A_35 = arith.shrsi %add3A_34, %shift_right_arithmetic3A : i32
    %while3A_36 = arith.constant 999936 : i32
    %while3A_37 = arith.constant 1000000 : i32
    %while3A_38 = arith.constant 0 : i32
    %while3A_39 = arith.constant 0 : i32
    %while3A_40 = arith.subi %shift_right_arithmetic3A_35, %while3A_39 : i32
    %while3A_41 = arith.addi %while3A_39, %while3A_40 : i32
    %while3A_42 = arith.constant 1 : i32
    %while3A_43 = arith.divsi %while3A_40, %while3A_42 : i32
    %while3A_44 = arith.muli %while3A_43, %while3A_42 : i32
    %while3A_45 = arith.addi %while3A_39, %while3A_44 : i32
    %while3A_46 = arith.constant 1 : i32
    %while3A_47:2 = scf.for %while3A_55 = %while3A_39 to %while3A_45 step %while3A_46 iter_args(%while3A_56 = %while3A_32#0, %while3A_57 = %while3A_32#1) -> (i32, i32)  : i32 {
      %mul3A_58 = arith.constant 16 : i32
      %mul3A_59 = arith.muli %mul3A_58, %while3A_55 : i32
      %get3A = arith.index_cast %mul3A_59 : i32 to index
      %get3A_60 = tpu.vector_load %arg7[%get3A] {strides = array<i32>} : memref<16384xi32, #tpu.memory_space<vmem>>, vector<16xi32>,
      %mul3A_61 = arith.constant 16 : i32
      %mul3A_62 = arith.muli %mul3A_61, %while3A_55 : i32
      %get3A_63 = arith.index_cast %mul3A_62 : i32 to index
      %get3A_64 = tpu.vector_load %arg8[%get3A_63] {strides = array<i32>} : memref<16384xi32, #tpu.memory_space<vmem>>, vector<16xi32>,
      %ge3A = vector.broadcast %while3A_36 : i32 to vector<16xi32>
      %ge3A_65 = arith.cmpi sge, %get3A_60, %ge3A : vector<16xi32>
      %lt3A = vector.broadcast %while3A_37 : i32 to vector<16xi32>
      %lt3A_66 = arith.cmpi slt, %get3A_60, %lt3A : vector<16xi32>
      %and3A = arith.andi %ge3A_65, %lt3A_66 : vector<16xi1>
      %mul3A_67 = arith.constant 16 : i32
      %mul3A_68 = arith.muli %mul3A_67, %while3A_55 : i32
      %add3A_69 = vector.broadcast %mul3A_68 : i32 to vector<16xi32>
      %add3A_70 = arith.addi %iota3A, %add3A_69 : vector<16xi32>
      %lt3A_71 = vector.broadcast %squeeze3A : i32 to vector<16xi32>
      %lt3A_72 = arith.cmpi slt, %add3A_70, %lt3A_71 : vector<16xi32>
      %and3A_73 = arith.andi %and3A, %lt3A_72 : vector<16xi1>
      %convert_element_type3A_74 = arith.extui %and3A_73 : vector<16xi1> to vector<16xi32>
      %broadcast_in_dim3A_75 = vector.broadcast %while3A_56 : i32 to vector<16xi32>
      %broadcast_in_dim3A_76 = arith.constant true
      %broadcast_in_dim3A_77 = vector.broadcast %broadcast_in_dim3A_76 : i1 to vector<16xi1>
      %masked_cumsum3A = tpu.scan <sum>, %convert_element_type3A_74 masked %broadcast_in_dim3A_77 : vector<16xi32>, vector<16xi1> -> vector<16xi32>
      %add3A_78 = arith.addi %broadcast_in_dim3A_75, %masked_cumsum3A : vector<16xi32>
      %sub3A_79 = arith.subi %add3A_78, %convert_element_type3A_74 : vector<16xi32>
      %sub3A_80 = vector.broadcast %while3A_36 : i32 to vector<16xi32>
      %sub3A_81 = arith.subi %get3A_60, %sub3A_80 : vector<16xi32>
      tpu.vector_store_idx %arg11[%sub3A_79], %sub3A_81 masked %and3A_73 : memref<32xi32, #tpu.memory_space<vmem>>[vector<16xi32>], vector<16xi32>, vector<16xi1>
      %shift_right_arithmetic3A_82 = arith.constant 4 : i32
      %shift_right_arithmetic3A_83 = vector.broadcast %shift_right_arithmetic3A_82 : i32 to vector<16xi32>
      %shift_right_arithmetic3A_84 = arith.shrsi %sub3A_79, %shift_right_arithmetic3A_83 : vector<16xi32>
      %and3A_85 = arith.constant 15 : i32
      %and3A_86 = vector.broadcast %and3A_85 : i32 to vector<16xi32>
      %and3A_87 = arith.andi %sub3A_79, %and3A_86 : vector<16xi32>
      tpu.vector_store_idx %arg12[%shift_right_arithmetic3A_84, %and3A_87], %get3A_64 masked %and3A_73 : memref<2x16xi32, #tpu.memory_space<vmem>>[vector<16xi32>, vector<16xi32>], vector<16xi32>, vector<16xi1>
      %all_reduce_population_count3A = tpu.all_reduce %and3A_73 {dim = 0 : i64, kind = #tpu.reduction_kind<sum>} : vector<16xi1> -> vector<16xi32>
      %slice3A_88 = vector.extract_strided_slice %all_reduce_population_count3A {offsets = [0], sizes = [1], strides = [1]} : vector<16xi32> to vector<1xi32>
      %squeeze3A_89 = vector.extract %slice3A_88[0] : i32 from vector<1xi32>
      %add3A_90 = arith.addi %while3A_56, %squeeze3A_89 : i32
      %while3A_91 = arith.constant 0 : i32
      %while3A_92 = arith.subi %add3A_90, %while3A_56 : i32
      %while3A_93 = arith.addi %while3A_56, %while3A_92 : i32
      %while3A_94 = arith.constant 1 : i32
      %while3A_95 = arith.divsi %while3A_92, %while3A_94 : i32
      %while3A_96 = arith.muli %while3A_95, %while3A_94 : i32
      %while3A_97 = arith.addi %while3A_56, %while3A_96 : i32
      %while3A_98 = arith.constant 1 : i32
      %while3A_99 = scf.for %while3A_114 = %while3A_56 to %while3A_97 step %while3A_98 iter_args(%while3A_115 = %while3A_91) -> (i32)  : i32 {
        %broadcast_in_dim3A_116 = vector.broadcast %while3A_114 : i32 to vector<16xi32>
        %gather3A = tpu.vector_load_idx %arg11[%broadcast_in_dim3A_116] : memref<32xi32, #tpu.memory_space<vmem>>[vector<16xi32>], vector<16xi32>,
        %ge3A_117 = arith.constant 16 : i32
        %ge3A_118 = arith.cmpi sge, %while3A_114, %ge3A_117 : i32
        %convert_element_type3A_119 = arith.extui %ge3A_118 : i1 to i32
        %add3A_120 = arith.addi %while3A_57, %convert_element_type3A_119 : i32
        %rem3A = arith.constant 16 : i32
        %rem3A_121 = arith.remsi %add3A_120, %rem3A : i32
        %mul3A_122 = arith.constant 16 : i32
        %mul3A_123 = arith.muli %mul3A_122, %rem3A_121 : i32
        %rem3A_124 = arith.constant 16 : i32
        %rem3A_125 = arith.remsi %while3A_114, %rem3A_124 : i32
        %add3A_126 = arith.addi %mul3A_123, %rem3A_125 : i32
        %broadcast_in_dim3A_127 = vector.broadcast %while3A_38 : i32 to vector<16xi32>
        %add3A_128 = arith.constant 0 : i32
        %add3A_129 = vector.broadcast %add3A_128 : i32 to vector<16xi32>
        %add3A_130 = arith.addi %iota3A, %add3A_129 : vector<16xi32>
        %gather3A_131 = tpu.vector_load_idx %arg9[%broadcast_in_dim3A_127, %add3A_130, %gather3A] : memref<2x64x256xf32, #tpu.memory_space<vmem>>[vector<16xi32>, vector<16xi32>, vector<16xi32>], vector<16xf32>,
        %swap3A = arith.index_cast %add3A_126 : i32 to index
        %swap3A_132 = arith.constant 0 : index
        %swap3A_133 = tpu.vector_load %arg10[%swap3A, %swap3A_132] {strides = array<i32>} : memref<256x128xf32, #tpu.memory_space<vmem>>, vector<16xf32>,
        tpu.vector_store %arg10[%swap3A, %swap3A_132], %gather3A_131 {strides = array<i32>} : memref<256x128xf32, #tpu.memory_space<vmem>>, vector<16xf32>,
        %broadcast_in_dim3A_134 = vector.broadcast %while3A_38 : i32 to vector<16xi32>
        %add3A_135 = arith.constant 16 : i32
        %add3A_136 = vector.broadcast %add3A_135 : i32 to vector<16xi32>
        %add3A_137 = arith.addi %iota3A, %add3A_136 : vector<16xi32>
        %gather3A_138 = tpu.vector_load_idx %arg9[%broadcast_in_dim3A_134, %add3A_137, %gather3A] : memref<2x64x256xf32, #tpu.memory_space<vmem>>[vector<16xi32>, vector<16xi32>, vector<16xi32>], vector<16xf32>,
        %swap3A_139 = arith.index_cast %add3A_126 : i32 to index
        %swap3A_140 = arith.constant 16 : index
        %swap3A_141 = tpu.vector_load %arg10[%swap3A_139, %swap3A_140] {strides = array<i32>} : memref<256x128xf32, #tpu.memory_space<vmem>>, vector<16xf32>,
        tpu.vector_store %arg10[%swap3A_139, %swap3A_140], %gather3A_138 {strides = array<i32>} : memref<256x128xf32, #tpu.memory_space<vmem>>, vector<16xf32>,
        %broadcast_in_dim3A_142 = vector.broadcast %while3A_38 : i32 to vector<16xi32>
        %add3A_143 = arith.constant 32 : i32
        %add3A_144 = vector.broadcast %add3A_143 : i32 to vector<16xi32>
        %add3A_145 = arith.addi %iota3A, %add3A_144 : vector<16xi32>
        %gather3A_146 = tpu.vector_load_idx %arg9[%broadcast_in_dim3A_142, %add3A_145, %gather3A] : memref<2x64x256xf32, #tpu.memory_space<vmem>>[vector<16xi32>, vector<16xi32>, vector<16xi32>], vector<16xf32>,
        %swap3A_147 = arith.index_cast %add3A_126 : i32 to index
        %swap3A_148 = arith.constant 32 : index
        %swap3A_149 = tpu.vector_load %arg10[%swap3A_147, %swap3A_148] {strides = array<i32>} : memref<256x128xf32, #tpu.memory_space<vmem>>, vector<16xf32>,
        tpu.vector_store %arg10[%swap3A_147, %swap3A_148], %gather3A_146 {strides = array<i32>} : memref<256x128xf32, #tpu.memory_space<vmem>>, vector<16xf32>,
        %broadcast_in_dim3A_150 = vector.broadcast %while3A_38 : i32 to vector<16xi32>
        %add3A_151 = arith.constant 48 : i32
        %add3A_152 = vector.broadcast %add3A_151 : i32 to vector<16xi32>
        %add3A_153 = arith.addi %iota3A, %add3A_152 : vector<16xi32>
        %gather3A_154 = tpu.vector_load_idx %arg9[%broadcast_in_dim3A_150, %add3A_153, %gather3A] : memref<2x64x256xf32, #tpu.memory_space<vmem>>[vector<16xi32>, vector<16xi32>, vector<16xi32>], vector<16xf32>,
        %swap3A_155 = arith.index_cast %add3A_126 : i32 to index
        %swap3A_156 = arith.constant 48 : index
        %swap3A_157 = tpu.vector_load %arg10[%swap3A_155, %swap3A_156] {strides = array<i32>} : memref<256x128xf32, #tpu.memory_space<vmem>>, vector<16xf32>,
        tpu.vector_store %arg10[%swap3A_155, %swap3A_156], %gather3A_154 {strides = array<i32>} : memref<256x128xf32, #tpu.memory_space<vmem>>, vector<16xf32>,
        %while3A_158 = arith.constant 0 : i32
        scf.yield %while3A_158 : i32
      }
      %while3A_100 = arith.constant 1 : i32
      %while3A_101 = scf.for %while3A_114 = %while3A_97 to %while3A_93 step %while3A_100 iter_args(%while3A_115 = %while3A_99) -> (i32)  : i32 {
        %broadcast_in_dim3A_116 = vector.broadcast %while3A_114 : i32 to vector<16xi32>
        %gather3A = tpu.vector_load_idx %arg11[%broadcast_in_dim3A_116] : memref<32xi32, #tpu.memory_space<vmem>>[vector<16xi32>], vector<16xi32>,
        %ge3A_117 = arith.constant 16 : i32
        %ge3A_118 = arith.cmpi sge, %while3A_114, %ge3A_117 : i32
        %convert_element_type3A_119 = arith.extui %ge3A_118 : i1 to i32
        %add3A_120 = arith.addi %while3A_57, %convert_element_type3A_119 : i32
        %rem3A = arith.constant 16 : i32
        %rem3A_121 = arith.remsi %add3A_120, %rem3A : i32
        %mul3A_122 = arith.constant 16 : i32
        %mul3A_123 = arith.muli %mul3A_122, %rem3A_121 : i32
        %rem3A_124 = arith.constant 16 : i32
        %rem3A_125 = arith.remsi %while3A_114, %rem3A_124 : i32
        %add3A_126 = arith.addi %mul3A_123, %rem3A_125 : i32
        %broadcast_in_dim3A_127 = vector.broadcast %while3A_38 : i32 to vector<16xi32>
        %add3A_128 = arith.constant 0 : i32
        %add3A_129 = vector.broadcast %add3A_128 : i32 to vector<16xi32>
        %add3A_130 = arith.addi %iota3A, %add3A_129 : vector<16xi32>
        %gather3A_131 = tpu.vector_load_idx %arg9[%broadcast_in_dim3A_127, %add3A_130, %gather3A] : memref<2x64x256xf32, #tpu.memory_space<vmem>>[vector<16xi32>, vector<16xi32>, vector<16xi32>], vector<16xf32>,
        %swap3A = arith.index_cast %add3A_126 : i32 to index
        %swap3A_132 = arith.constant 0 : index
        %swap3A_133 = tpu.vector_load %arg10[%swap3A, %swap3A_132] {strides = array<i32>} : memref<256x128xf32, #tpu.memory_space<vmem>>, vector<16xf32>,
        tpu.vector_store %arg10[%swap3A, %swap3A_132], %gather3A_131 {strides = array<i32>} : memref<256x128xf32, #tpu.memory_space<vmem>>, vector<16xf32>,
        %broadcast_in_dim3A_134 = vector.broadcast %while3A_38 : i32 to vector<16xi32>
        %add3A_135 = arith.constant 16 : i32
        %add3A_136 = vector.broadcast %add3A_135 : i32 to vector<16xi32>
        %add3A_137 = arith.addi %iota3A, %add3A_136 : vector<16xi32>
        %gather3A_138 = tpu.vector_load_idx %arg9[%broadcast_in_dim3A_134, %add3A_137, %gather3A] : memref<2x64x256xf32, #tpu.memory_space<vmem>>[vector<16xi32>, vector<16xi32>, vector<16xi32>], vector<16xf32>,
        %swap3A_139 = arith.index_cast %add3A_126 : i32 to index
        %swap3A_140 = arith.constant 16 : index
        %swap3A_141 = tpu.vector_load %arg10[%swap3A_139, %swap3A_140] {strides = array<i32>} : memref<256x128xf32, #tpu.memory_space<vmem>>, vector<16xf32>,
        tpu.vector_store %arg10[%swap3A_139, %swap3A_140], %gather3A_138 {strides = array<i32>} : memref<256x128xf32, #tpu.memory_space<vmem>>, vector<16xf32>,
        %broadcast_in_dim3A_142 = vector.broadcast %while3A_38 : i32 to vector<16xi32>
        %add3A_143 = arith.constant 32 : i32
        %add3A_144 = vector.broadcast %add3A_143 : i32 to vector<16xi32>
        %add3A_145 = arith.addi %iota3A, %add3A_144 : vector<16xi32>
        %gather3A_146 = tpu.vector_load_idx %arg9[%broadcast_in_dim3A_142, %add3A_145, %gather3A] : memref<2x64x256xf32, #tpu.memory_space<vmem>>[vector<16xi32>, vector<16xi32>, vector<16xi32>], vector<16xf32>,
        %swap3A_147 = arith.index_cast %add3A_126 : i32 to index
        %swap3A_148 = arith.constant 32 : index
        %swap3A_149 = tpu.vector_load %arg10[%swap3A_147, %swap3A_148] {strides = array<i32>} : memref<256x128xf32, #tpu.memory_space<vmem>>, vector<16xf32>,
        tpu.vector_store %arg10[%swap3A_147, %swap3A_148], %gather3A_146 {strides = array<i32>} : memref<256x128xf32, #tpu.memory_space<vmem>>, vector<16xf32>,
        %broadcast_in_dim3A_150 = vector.broadcast %while3A_38 : i32 to vector<16xi32>
        %add3A_151 = arith.constant 48 : i32
        %add3A_152 = vector.broadcast %add3A_151 : i32 to vector<16xi32>
        %add3A_153 = arith.addi %iota3A, %add3A_152 : vector<16xi32>
        %gather3A_154 = tpu.vector_load_idx %arg9[%broadcast_in_dim3A_150, %add3A_153, %gather3A] : memref<2x64x256xf32, #tpu.memory_space<vmem>>[vector<16xi32>, vector<16xi32>, vector<16xi32>], vector<16xf32>,
        %swap3A_155 = arith.index_cast %add3A_126 : i32 to index
        %swap3A_156 = arith.constant 48 : index
        %swap3A_157 = tpu.vector_load %arg10[%swap3A_155, %swap3A_156] {strides = array<i32>} : memref<256x128xf32, #tpu.memory_space<vmem>>, vector<16xf32>,
        tpu.vector_store %arg10[%swap3A_155, %swap3A_156], %gather3A_154 {strides = array<i32>} : memref<256x128xf32, #tpu.memory_space<vmem>>, vector<16xf32>,
        %while3A_158 = arith.constant 0 : i32
        scf.yield %while3A_158 : i32
      }
      %add3A_102 = arith.addi %while3A_56, %squeeze3A_89 : i32
      %ge3A_103 = arith.constant 16 : i32
      %ge3A_104 = arith.cmpi sge, %add3A_102, %ge3A_103 : i32
      %convert_element_type3A_105 = arith.extui %ge3A_104 : i1 to i32
      %cond3A_106 = arith.constant 0 : i32
      %cond3A_107 = arith.cmpi ne, %convert_element_type3A_105, %cond3A_106 : i32
      scf.if %cond3A_107 {
        %rem3A = arith.constant 16 : i32
        %rem3A_114 = arith.remsi %while3A_57, %rem3A : i32
        %mul3A_115 = arith.constant 16 : i32
        %mul3A_116 = arith.muli %mul3A_115, %rem3A_114 : i32
        %multiple_of3A = tpu.assume_multiple %mul3A_116, 16 : i32
        %dma_start3A = arith.constant 0 : i32
        %dma_start3A_117 = arith.constant 0 : i32
        %dma_start3A_118 = tpu.memref_slice %arg10[%multiple_of3A, %dma_start3A_117] : memref<256x128xf32, #tpu.memory_space<vmem>> -> memref<16x128xf32, #tpu.memory_space<vmem>>
        %dma_start3A_119 = arith.constant 0 : i32
        %dma_start3A_120 = tpu.memref_slice %arg12[%dma_start3A, %dma_start3A_119] : memref<2x16xi32, #tpu.memory_space<vmem>> -> memref<1x16xi32, #tpu.memory_space<vmem>>
        %dma_start3A_121 = tpu.memref_squeeze %dma_start3A_120 : memref<1x16xi32, #tpu.memory_space<vmem>> -> memref<16xi32, #tpu.memory_space<vmem>>
        %dma_start3A_122 = arith.constant 0 : i32
        %dma_start3A_123 = arith.constant 0 : i32
        %dma_start3A_124 = tpu.memref_slice %arg5[%dma_start3A_122, %dma_start3A_123] : memref<16512x128xf32, #tpu.memory_space<hbm>> -> memref<16512x128xf32, #tpu.memory_space<hbm>>
        tpu.enqueue_indirect_dma source(%dma_start3A_118 : memref<16x128xf32, #tpu.memory_space<vmem>>) target(%dma_start3A_124 : memref<16512x128xf32, #tpu.memory_space<hbm>>) offsets(%dma_start3A_121 : memref<16xi32, #tpu.memory_space<vmem>>) semaphore(%arg14 : memref<!tpu.dma_semaphore, #tpu.memory_space<semaphore_mem>>)
        %dma_wait3A = arith.constant 0 : i32
        %dma_wait3A_125 = arith.constant 0 : i32
        %dma_wait3A_126 = tpu.memref_slice %arg10[%multiple_of3A, %dma_wait3A_125] : memref<256x128xf32, #tpu.memory_space<vmem>> -> memref<16x128xf32, #tpu.memory_space<vmem>>
        %dma_wait3A_127 = arith.constant 0 : i32
        %dma_wait3A_128 = tpu.memref_slice %arg12[%dma_wait3A, %dma_wait3A_127] : memref<2x16xi32, #tpu.memory_space<vmem>> -> memref<1x16xi32, #tpu.memory_space<vmem>>
        %dma_wait3A_129 = tpu.memref_squeeze %dma_wait3A_128 : memref<1x16xi32, #tpu.memory_space<vmem>> -> memref<16xi32, #tpu.memory_space<vmem>>
        %dma_wait3A_130 = arith.constant 0 : i32
        %dma_wait3A_131 = arith.constant 0 : i32
        %dma_wait3A_132 = tpu.memref_slice %arg5[%dma_wait3A_130, %dma_wait3A_131] : memref<16512x128xf32, #tpu.memory_space<hbm>> -> memref<16512x128xf32, #tpu.memory_space<hbm>>
        tpu.wait_indirect_dma semaphore(%arg14 : memref<!tpu.dma_semaphore, #tpu.memory_space<semaphore_mem>>) src(%dma_wait3A_126 : memref<16x128xf32, #tpu.memory_space<vmem>>) dst(%dma_wait3A_132 : memref<16512x128xf32, #tpu.memory_space<hbm>>)
        %get3A_133 = arith.constant 1 : i32
        %get3A_134 = arith.index_cast %get3A_133 : i32 to index
        %get3A_135 = arith.constant 0 : index
        %get3A_136 = tpu.vector_load %arg12[%get3A_134, %get3A_135] {strides = array<i32>} : memref<2x16xi32, #tpu.memory_space<vmem>>, vector<16xi32>,
        %swap3A = arith.constant 0 : i32
        %swap3A_137 = arith.index_cast %swap3A : i32 to index
        %swap3A_138 = arith.constant 0 : index
        %swap3A_139 = tpu.vector_load %arg12[%swap3A_137, %swap3A_138] {strides = array<i32>} : memref<2x16xi32, #tpu.memory_space<vmem>>, vector<16xi32>,
        tpu.vector_store %arg12[%swap3A_137, %swap3A_138], %get3A_136 {strides = array<i32>} : memref<2x16xi32, #tpu.memory_space<vmem>>, vector<16xi32>,
        %get3A_140 = arith.constant 16 : index
        %get3A_141 = tpu.vector_load %arg11[%get3A_140] {strides = array<i32>} : memref<32xi32, #tpu.memory_space<vmem>>, vector<16xi32>,
        %swap3A_142 = arith.constant 0 : index
        %swap3A_143 = tpu.vector_load %arg11[%swap3A_142] {strides = array<i32>} : memref<32xi32, #tpu.memory_space<vmem>>, vector<16xi32>,
        tpu.vector_store %arg11[%swap3A_142], %get3A_141 {strides = array<i32>} : memref<32xi32, #tpu.memory_space<vmem>>, vector<16xi32>,
      } else {
      }
      %sub3A_108 = arith.constant 16 : i32
      %sub3A_109 = arith.subi %add3A_102, %sub3A_108 : i32
      %select_n3A_110 = arith.select %ge3A_104, %sub3A_109, %add3A_102 : i32
      %add3A_111 = arith.constant 1 : i32
      %add3A_112 = arith.addi %while3A_57, %add3A_111 : i32
      %select_n3A_113 = arith.select %ge3A_104, %add3A_112, %while3A_57 : i32
      scf.yield %select_n3A_110, %select_n3A_113 : i32, i32
    }
    %while3A_48 = arith.constant 1 : i32
    %while3A_49:2 = scf.for %while3A_55 = %while3A_45 to %while3A_41 step %while3A_48 iter_args(%while3A_56 = %while3A_47#0, %while3A_57 = %while3A_47#1) -> (i32, i32)  : i32 {
      %mul3A_58 = arith.constant 16 : i32
      %mul3A_59 = arith.muli %mul3A_58, %while3A_55 : i32
      %get3A = arith.index_cast %mul3A_59 : i32 to index
      %get3A_60 = tpu.vector_load %arg7[%get3A] {strides = array<i32>} : memref<16384xi32, #tpu.memory_space<vmem>>, vector<16xi32>,
      %mul3A_61 = arith.constant 16 : i32
      %mul3A_62 = arith.muli %mul3A_61, %while3A_55 : i32
      %get3A_63 = arith.index_cast %mul3A_62 : i32 to index
      %get3A_64 = tpu.vector_load %arg8[%get3A_63] {strides = array<i32>} : memref<16384xi32, #tpu.memory_space<vmem>>, vector<16xi32>,
      %ge3A = vector.broadcast %while3A_36 : i32 to vector<16xi32>
      %ge3A_65 = arith.cmpi sge, %get3A_60, %ge3A : vector<16xi32>
      %lt3A = vector.broadcast %while3A_37 : i32 to vector<16xi32>
      %lt3A_66 = arith.cmpi slt, %get3A_60, %lt3A : vector<16xi32>
      %and3A = arith.andi %ge3A_65, %lt3A_66 : vector<16xi1>
      %mul3A_67 = arith.constant 16 : i32
      %mul3A_68 = arith.muli %mul3A_67, %while3A_55 : i32
      %add3A_69 = vector.broadcast %mul3A_68 : i32 to vector<16xi32>
      %add3A_70 = arith.addi %iota3A, %add3A_69 : vector<16xi32>
      %lt3A_71 = vector.broadcast %squeeze3A : i32 to vector<16xi32>
      %lt3A_72 = arith.cmpi slt, %add3A_70, %lt3A_71 : vector<16xi32>
      %and3A_73 = arith.andi %and3A, %lt3A_72 : vector<16xi1>
      %convert_element_type3A_74 = arith.extui %and3A_73 : vector<16xi1> to vector<16xi32>
      %broadcast_in_dim3A_75 = vector.broadcast %while3A_56 : i32 to vector<16xi32>
      %broadcast_in_dim3A_76 = arith.constant true
      %broadcast_in_dim3A_77 = vector.broadcast %broadcast_in_dim3A_76 : i1 to vector<16xi1>
      %masked_cumsum3A = tpu.scan <sum>, %convert_element_type3A_74 masked %broadcast_in_dim3A_77 : vector<16xi32>, vector<16xi1> -> vector<16xi32>
      %add3A_78 = arith.addi %broadcast_in_dim3A_75, %masked_cumsum3A : vector<16xi32>
      %sub3A_79 = arith.subi %add3A_78, %convert_element_type3A_74 : vector<16xi32>
      %sub3A_80 = vector.broadcast %while3A_36 : i32 to vector<16xi32>
      %sub3A_81 = arith.subi %get3A_60, %sub3A_80 : vector<16xi32>
      tpu.vector_store_idx %arg11[%sub3A_79], %sub3A_81 masked %and3A_73 : memref<32xi32, #tpu.memory_space<vmem>>[vector<16xi32>], vector<16xi32>, vector<16xi1>
      %shift_right_arithmetic3A_82 = arith.constant 4 : i32
      %shift_right_arithmetic3A_83 = vector.broadcast %shift_right_arithmetic3A_82 : i32 to vector<16xi32>
      %shift_right_arithmetic3A_84 = arith.shrsi %sub3A_79, %shift_right_arithmetic3A_83 : vector<16xi32>
      %and3A_85 = arith.constant 15 : i32
      %and3A_86 = vector.broadcast %and3A_85 : i32 to vector<16xi32>
      %and3A_87 = arith.andi %sub3A_79, %and3A_86 : vector<16xi32>
      tpu.vector_store_idx %arg12[%shift_right_arithmetic3A_84, %and3A_87], %get3A_64 masked %and3A_73 : memref<2x16xi32, #tpu.memory_space<vmem>>[vector<16xi32>, vector<16xi32>], vector<16xi32>, vector<16xi1>
      %all_reduce_population_count3A = tpu.all_reduce %and3A_73 {dim = 0 : i64, kind = #tpu.reduction_kind<sum>} : vector<16xi1> -> vector<16xi32>
      %slice3A_88 = vector.extract_strided_slice %all_reduce_population_count3A {offsets = [0], sizes = [1], strides = [1]} : vector<16xi32> to vector<1xi32>
      %squeeze3A_89 = vector.extract %slice3A_88[0] : i32 from vector<1xi32>
      %add3A_90 = arith.addi %while3A_56, %squeeze3A_89 : i32
      %while3A_91 = arith.constant 0 : i32
      %while3A_92 = arith.subi %add3A_90, %while3A_56 : i32
      %while3A_93 = arith.addi %while3A_56, %while3A_92 : i32
      %while3A_94 = arith.constant 1 : i32
      %while3A_95 = arith.divsi %while3A_92, %while3A_94 : i32
      %while3A_96 = arith.muli %while3A_95, %while3A_94 : i32
      %while3A_97 = arith.addi %while3A_56, %while3A_96 : i32
      %while3A_98 = arith.constant 1 : i32
      %while3A_99 = scf.for %while3A_114 = %while3A_56 to %while3A_97 step %while3A_98 iter_args(%while3A_115 = %while3A_91) -> (i32)  : i32 {
        %broadcast_in_dim3A_116 = vector.broadcast %while3A_114 : i32 to vector<16xi32>
        %gather3A = tpu.vector_load_idx %arg11[%broadcast_in_dim3A_116] : memref<32xi32, #tpu.memory_space<vmem>>[vector<16xi32>], vector<16xi32>,
        %ge3A_117 = arith.constant 16 : i32
        %ge3A_118 = arith.cmpi sge, %while3A_114, %ge3A_117 : i32
        %convert_element_type3A_119 = arith.extui %ge3A_118 : i1 to i32
        %add3A_120 = arith.addi %while3A_57, %convert_element_type3A_119 : i32
        %rem3A = arith.constant 16 : i32
        %rem3A_121 = arith.remsi %add3A_120, %rem3A : i32
        %mul3A_122 = arith.constant 16 : i32
        %mul3A_123 = arith.muli %mul3A_122, %rem3A_121 : i32
        %rem3A_124 = arith.constant 16 : i32
        %rem3A_125 = arith.remsi %while3A_114, %rem3A_124 : i32
        %add3A_126 = arith.addi %mul3A_123, %rem3A_125 : i32
        %broadcast_in_dim3A_127 = vector.broadcast %while3A_38 : i32 to vector<16xi32>
        %add3A_128 = arith.constant 0 : i32
        %add3A_129 = vector.broadcast %add3A_128 : i32 to vector<16xi32>
        %add3A_130 = arith.addi %iota3A, %add3A_129 : vector<16xi32>
        %gather3A_131 = tpu.vector_load_idx %arg9[%broadcast_in_dim3A_127, %add3A_130, %gather3A] : memref<2x64x256xf32, #tpu.memory_space<vmem>>[vector<16xi32>, vector<16xi32>, vector<16xi32>], vector<16xf32>,
        %swap3A = arith.index_cast %add3A_126 : i32 to index
        %swap3A_132 = arith.constant 0 : index
        %swap3A_133 = tpu.vector_load %arg10[%swap3A, %swap3A_132] {strides = array<i32>} : memref<256x128xf32, #tpu.memory_space<vmem>>, vector<16xf32>,
        tpu.vector_store %arg10[%swap3A, %swap3A_132], %gather3A_131 {strides = array<i32>} : memref<256x128xf32, #tpu.memory_space<vmem>>, vector<16xf32>,
        %broadcast_in_dim3A_134 = vector.broadcast %while3A_38 : i32 to vector<16xi32>
        %add3A_135 = arith.constant 16 : i32
        %add3A_136 = vector.broadcast %add3A_135 : i32 to vector<16xi32>
        %add3A_137 = arith.addi %iota3A, %add3A_136 : vector<16xi32>
        %gather3A_138 = tpu.vector_load_idx %arg9[%broadcast_in_dim3A_134, %add3A_137, %gather3A] : memref<2x64x256xf32, #tpu.memory_space<vmem>>[vector<16xi32>, vector<16xi32>, vector<16xi32>], vector<16xf32>,
        %swap3A_139 = arith.index_cast %add3A_126 : i32 to index
        %swap3A_140 = arith.constant 16 : index
        %swap3A_141 = tpu.vector_load %arg10[%swap3A_139, %swap3A_140] {strides = array<i32>} : memref<256x128xf32, #tpu.memory_space<vmem>>, vector<16xf32>,
        tpu.vector_store %arg10[%swap3A_139, %swap3A_140], %gather3A_138 {strides = array<i32>} : memref<256x128xf32, #tpu.memory_space<vmem>>, vector<16xf32>,
        %broadcast_in_dim3A_142 = vector.broadcast %while3A_38 : i32 to vector<16xi32>
        %add3A_143 = arith.constant 32 : i32
        %add3A_144 = vector.broadcast %add3A_143 : i32 to vector<16xi32>
        %add3A_145 = arith.addi %iota3A, %add3A_144 : vector<16xi32>
        %gather3A_146 = tpu.vector_load_idx %arg9[%broadcast_in_dim3A_142, %add3A_145, %gather3A] : memref<2x64x256xf32, #tpu.memory_space<vmem>>[vector<16xi32>, vector<16xi32>, vector<16xi32>], vector<16xf32>,
        %swap3A_147 = arith.index_cast %add3A_126 : i32 to index
        %swap3A_148 = arith.constant 32 : index
        %swap3A_149 = tpu.vector_load %arg10[%swap3A_147, %swap3A_148] {strides = array<i32>} : memref<256x128xf32, #tpu.memory_space<vmem>>, vector<16xf32>,
        tpu.vector_store %arg10[%swap3A_147, %swap3A_148], %gather3A_146 {strides = array<i32>} : memref<256x128xf32, #tpu.memory_space<vmem>>, vector<16xf32>,
        %broadcast_in_dim3A_150 = vector.broadcast %while3A_38 : i32 to vector<16xi32>
        %add3A_151 = arith.constant 48 : i32
        %add3A_152 = vector.broadcast %add3A_151 : i32 to vector<16xi32>
        %add3A_153 = arith.addi %iota3A, %add3A_152 : vector<16xi32>
        %gather3A_154 = tpu.vector_load_idx %arg9[%broadcast_in_dim3A_150, %add3A_153, %gather3A] : memref<2x64x256xf32, #tpu.memory_space<vmem>>[vector<16xi32>, vector<16xi32>, vector<16xi32>], vector<16xf32>,
        %swap3A_155 = arith.index_cast %add3A_126 : i32 to index
        %swap3A_156 = arith.constant 48 : index
        %swap3A_157 = tpu.vector_load %arg10[%swap3A_155, %swap3A_156] {strides = array<i32>} : memref<256x128xf32, #tpu.memory_space<vmem>>, vector<16xf32>,
        tpu.vector_store %arg10[%swap3A_155, %swap3A_156], %gather3A_154 {strides = array<i32>} : memref<256x128xf32, #tpu.memory_space<vmem>>, vector<16xf32>,
        %while3A_158 = arith.constant 0 : i32
        scf.yield %while3A_158 : i32
      }
      %while3A_100 = arith.constant 1 : i32
      %while3A_101 = scf.for %while3A_114 = %while3A_97 to %while3A_93 step %while3A_100 iter_args(%while3A_115 = %while3A_99) -> (i32)  : i32 {
        %broadcast_in_dim3A_116 = vector.broadcast %while3A_114 : i32 to vector<16xi32>
        %gather3A = tpu.vector_load_idx %arg11[%broadcast_in_dim3A_116] : memref<32xi32, #tpu.memory_space<vmem>>[vector<16xi32>], vector<16xi32>,
        %ge3A_117 = arith.constant 16 : i32
        %ge3A_118 = arith.cmpi sge, %while3A_114, %ge3A_117 : i32
        %convert_element_type3A_119 = arith.extui %ge3A_118 : i1 to i32
        %add3A_120 = arith.addi %while3A_57, %convert_element_type3A_119 : i32
        %rem3A = arith.constant 16 : i32
        %rem3A_121 = arith.remsi %add3A_120, %rem3A : i32
        %mul3A_122 = arith.constant 16 : i32
        %mul3A_123 = arith.muli %mul3A_122, %rem3A_121 : i32
        %rem3A_124 = arith.constant 16 : i32
        %rem3A_125 = arith.remsi %while3A_114, %rem3A_124 : i32
        %add3A_126 = arith.addi %mul3A_123, %rem3A_125 : i32
        %broadcast_in_dim3A_127 = vector.broadcast %while3A_38 : i32 to vector<16xi32>
        %add3A_128 = arith.constant 0 : i32
        %add3A_129 = vector.broadcast %add3A_128 : i32 to vector<16xi32>
        %add3A_130 = arith.addi %iota3A, %add3A_129 : vector<16xi32>
        %gather3A_131 = tpu.vector_load_idx %arg9[%broadcast_in_dim3A_127, %add3A_130, %gather3A] : memref<2x64x256xf32, #tpu.memory_space<vmem>>[vector<16xi32>, vector<16xi32>, vector<16xi32>], vector<16xf32>,
        %swap3A = arith.index_cast %add3A_126 : i32 to index
        %swap3A_132 = arith.constant 0 : index
        %swap3A_133 = tpu.vector_load %arg10[%swap3A, %swap3A_132] {strides = array<i32>} : memref<256x128xf32, #tpu.memory_space<vmem>>, vector<16xf32>,
        tpu.vector_store %arg10[%swap3A, %swap3A_132], %gather3A_131 {strides = array<i32>} : memref<256x128xf32, #tpu.memory_space<vmem>>, vector<16xf32>,
        %broadcast_in_dim3A_134 = vector.broadcast %while3A_38 : i32 to vector<16xi32>
        %add3A_135 = arith.constant 16 : i32
        %add3A_136 = vector.broadcast %add3A_135 : i32 to vector<16xi32>
        %add3A_137 = arith.addi %iota3A, %add3A_136 : vector<16xi32>
        %gather3A_138 = tpu.vector_load_idx %arg9[%broadcast_in_dim3A_134, %add3A_137, %gather3A] : memref<2x64x256xf32, #tpu.memory_space<vmem>>[vector<16xi32>, vector<16xi32>, vector<16xi32>], vector<16xf32>,
        %swap3A_139 = arith.index_cast %add3A_126 : i32 to index
        %swap3A_140 = arith.constant 16 : index
        %swap3A_141 = tpu.vector_load %arg10[%swap3A_139, %swap3A_140] {strides = array<i32>} : memref<256x128xf32, #tpu.memory_space<vmem>>, vector<16xf32>,
        tpu.vector_store %arg10[%swap3A_139, %swap3A_140], %gather3A_138 {strides = array<i32>} : memref<256x128xf32, #tpu.memory_space<vmem>>, vector<16xf32>,
        %broadcast_in_dim3A_142 = vector.broadcast %while3A_38 : i32 to vector<16xi32>
        %add3A_143 = arith.constant 32 : i32
        %add3A_144 = vector.broadcast %add3A_143 : i32 to vector<16xi32>
        %add3A_145 = arith.addi %iota3A, %add3A_144 : vector<16xi32>
        %gather3A_146 = tpu.vector_load_idx %arg9[%broadcast_in_dim3A_142, %add3A_145, %gather3A] : memref<2x64x256xf32, #tpu.memory_space<vmem>>[vector<16xi32>, vector<16xi32>, vector<16xi32>], vector<16xf32>,
        %swap3A_147 = arith.index_cast %add3A_126 : i32 to index
        %swap3A_148 = arith.constant 32 : index
        %swap3A_149 = tpu.vector_load %arg10[%swap3A_147, %swap3A_148] {strides = array<i32>} : memref<256x128xf32, #tpu.memory_space<vmem>>, vector<16xf32>,
        tpu.vector_store %arg10[%swap3A_147, %swap3A_148], %gather3A_146 {strides = array<i32>} : memref<256x128xf32, #tpu.memory_space<vmem>>, vector<16xf32>,
        %broadcast_in_dim3A_150 = vector.broadcast %while3A_38 : i32 to vector<16xi32>
        %add3A_151 = arith.constant 48 : i32
        %add3A_152 = vector.broadcast %add3A_151 : i32 to vector<16xi32>
        %add3A_153 = arith.addi %iota3A, %add3A_152 : vector<16xi32>
        %gather3A_154 = tpu.vector_load_idx %arg9[%broadcast_in_dim3A_150, %add3A_153, %gather3A] : memref<2x64x256xf32, #tpu.memory_space<vmem>>[vector<16xi32>, vector<16xi32>, vector<16xi32>], vector<16xf32>,
        %swap3A_155 = arith.index_cast %add3A_126 : i32 to index
        %swap3A_156 = arith.constant 48 : index
        %swap3A_157 = tpu.vector_load %arg10[%swap3A_155, %swap3A_156] {strides = array<i32>} : memref<256x128xf32, #tpu.memory_space<vmem>>, vector<16xf32>,
        tpu.vector_store %arg10[%swap3A_155, %swap3A_156], %gather3A_154 {strides = array<i32>} : memref<256x128xf32, #tpu.memory_space<vmem>>, vector<16xf32>,
        %while3A_158 = arith.constant 0 : i32
        scf.yield %while3A_158 : i32
      }
      %add3A_102 = arith.addi %while3A_56, %squeeze3A_89 : i32
      %ge3A_103 = arith.constant 16 : i32
      %ge3A_104 = arith.cmpi sge, %add3A_102, %ge3A_103 : i32
      %convert_element_type3A_105 = arith.extui %ge3A_104 : i1 to i32
      %cond3A_106 = arith.constant 0 : i32
      %cond3A_107 = arith.cmpi ne, %convert_element_type3A_105, %cond3A_106 : i32
      scf.if %cond3A_107 {
        %rem3A = arith.constant 16 : i32
        %rem3A_114 = arith.remsi %while3A_57, %rem3A : i32
        %mul3A_115 = arith.constant 16 : i32
        %mul3A_116 = arith.muli %mul3A_115, %rem3A_114 : i32
        %multiple_of3A = tpu.assume_multiple %mul3A_116, 16 : i32
        %dma_start3A = arith.constant 0 : i32
        %dma_start3A_117 = arith.constant 0 : i32
        %dma_start3A_118 = tpu.memref_slice %arg10[%multiple_of3A, %dma_start3A_117] : memref<256x128xf32, #tpu.memory_space<vmem>> -> memref<16x128xf32, #tpu.memory_space<vmem>>
        %dma_start3A_119 = arith.constant 0 : i32
        %dma_start3A_120 = tpu.memref_slice %arg12[%dma_start3A, %dma_start3A_119] : memref<2x16xi32, #tpu.memory_space<vmem>> -> memref<1x16xi32, #tpu.memory_space<vmem>>
        %dma_start3A_121 = tpu.memref_squeeze %dma_start3A_120 : memref<1x16xi32, #tpu.memory_space<vmem>> -> memref<16xi32, #tpu.memory_space<vmem>>
        %dma_start3A_122 = arith.constant 0 : i32
        %dma_start3A_123 = arith.constant 0 : i32
        %dma_start3A_124 = tpu.memref_slice %arg5[%dma_start3A_122, %dma_start3A_123] : memref<16512x128xf32, #tpu.memory_space<hbm>> -> memref<16512x128xf32, #tpu.memory_space<hbm>>
        tpu.enqueue_indirect_dma source(%dma_start3A_118 : memref<16x128xf32, #tpu.memory_space<vmem>>) target(%dma_start3A_124 : memref<16512x128xf32, #tpu.memory_space<hbm>>) offsets(%dma_start3A_121 : memref<16xi32, #tpu.memory_space<vmem>>) semaphore(%arg14 : memref<!tpu.dma_semaphore, #tpu.memory_space<semaphore_mem>>)
        %dma_wait3A = arith.constant 0 : i32
        %dma_wait3A_125 = arith.constant 0 : i32
        %dma_wait3A_126 = tpu.memref_slice %arg10[%multiple_of3A, %dma_wait3A_125] : memref<256x128xf32, #tpu.memory_space<vmem>> -> memref<16x128xf32, #tpu.memory_space<vmem>>
        %dma_wait3A_127 = arith.constant 0 : i32
        %dma_wait3A_128 = tpu.memref_slice %arg12[%dma_wait3A, %dma_wait3A_127] : memref<2x16xi32, #tpu.memory_space<vmem>> -> memref<1x16xi32, #tpu.memory_space<vmem>>
        %dma_wait3A_129 = tpu.memref_squeeze %dma_wait3A_128 : memref<1x16xi32, #tpu.memory_space<vmem>> -> memref<16xi32, #tpu.memory_space<vmem>>
        %dma_wait3A_130 = arith.constant 0 : i32
        %dma_wait3A_131 = arith.constant 0 : i32
        %dma_wait3A_132 = tpu.memref_slice %arg5[%dma_wait3A_130, %dma_wait3A_131] : memref<16512x128xf32, #tpu.memory_space<hbm>> -> memref<16512x128xf32, #tpu.memory_space<hbm>>
        tpu.wait_indirect_dma semaphore(%arg14 : memref<!tpu.dma_semaphore, #tpu.memory_space<semaphore_mem>>) src(%dma_wait3A_126 : memref<16x128xf32, #tpu.memory_space<vmem>>) dst(%dma_wait3A_132 : memref<16512x128xf32, #tpu.memory_space<hbm>>)
        %get3A_133 = arith.constant 1 : i32
        %get3A_134 = arith.index_cast %get3A_133 : i32 to index
        %get3A_135 = arith.constant 0 : index
        %get3A_136 = tpu.vector_load %arg12[%get3A_134, %get3A_135] {strides = array<i32>} : memref<2x16xi32, #tpu.memory_space<vmem>>, vector<16xi32>,
        %swap3A = arith.constant 0 : i32
        %swap3A_137 = arith.index_cast %swap3A : i32 to index
        %swap3A_138 = arith.constant 0 : index
        %swap3A_139 = tpu.vector_load %arg12[%swap3A_137, %swap3A_138] {strides = array<i32>} : memref<2x16xi32, #tpu.memory_space<vmem>>, vector<16xi32>,
        tpu.vector_store %arg12[%swap3A_137, %swap3A_138], %get3A_136 {strides = array<i32>} : memref<2x16xi32, #tpu.memory_space<vmem>>, vector<16xi32>,
        %get3A_140 = arith.constant 16 : index
        %get3A_141 = tpu.vector_load %arg11[%get3A_140] {strides = array<i32>} : memref<32xi32, #tpu.memory_space<vmem>>, vector<16xi32>,
        %swap3A_142 = arith.constant 0 : index
        %swap3A_143 = tpu.vector_load %arg11[%swap3A_142] {strides = array<i32>} : memref<32xi32, #tpu.memory_space<vmem>>, vector<16xi32>,
        tpu.vector_store %arg11[%swap3A_142], %get3A_141 {strides = array<i32>} : memref<32xi32, #tpu.memory_space<vmem>>, vector<16xi32>,
      } else {
      }
      %sub3A_108 = arith.constant 16 : i32
      %sub3A_109 = arith.subi %add3A_102, %sub3A_108 : i32
      %select_n3A_110 = arith.select %ge3A_104, %sub3A_109, %add3A_102 : i32
      %add3A_111 = arith.constant 1 : i32
      %add3A_112 = arith.addi %while3A_57, %add3A_111 : i32
      %select_n3A_113 = arith.select %ge3A_104, %add3A_112, %while3A_57 : i32
      scf.yield %select_n3A_110, %select_n3A_113 : i32, i32
    }
    %gt3A_50 = arith.constant 0 : i32
    %gt3A_51 = arith.cmpi sgt, %while3A_49#0, %gt3A_50 : i32
    %convert_element_type3A_52 = arith.extui %gt3A_51 : i1 to i32
    %cond3A_53 = arith.constant 0 : i32
    %cond3A_54 = arith.cmpi ne, %convert_element_type3A_52, %cond3A_53 : i32
    scf.if %cond3A_54 {
      %get3A = arith.constant 0 : i32
      %get3A_55 = arith.index_cast %get3A : i32 to index
      %get3A_56 = arith.constant 0 : index
      %get3A_57 = tpu.vector_load %arg12[%get3A_55, %get3A_56] {strides = array<i32>} : memref<2x16xi32, #tpu.memory_space<vmem>>, vector<16xi32>,
      %lt3A = vector.broadcast %while3A_49#0 : i32 to vector<16xi32>
      %lt3A_58 = arith.cmpi slt, %iota3A, %lt3A : vector<16xi32>
      %broadcast_in_dim3A_59 = vector.broadcast %add3A_2 : i32 to vector<16xi32>
      %select_n3A_60 = arith.select %lt3A_58, %get3A_57, %broadcast_in_dim3A_59 : vector<16xi1>, vector<16xi32>
      %swap3A = arith.constant 0 : i32
      %swap3A_61 = arith.index_cast %swap3A : i32 to index
      %swap3A_62 = arith.constant 0 : index
      %swap3A_63 = tpu.vector_load %arg12[%swap3A_61, %swap3A_62] {strides = array<i32>} : memref<2x16xi32, #tpu.memory_space<vmem>>, vector<16xi32>,
      tpu.vector_store %arg12[%swap3A_61, %swap3A_62], %select_n3A_60 {strides = array<i32>} : memref<2x16xi32, #tpu.memory_space<vmem>>, vector<16xi32>,
      %rem3A = arith.constant 16 : i32
      %rem3A_64 = arith.remsi %while3A_49#1, %rem3A : i32
      %mul3A_65 = arith.constant 16 : i32
      %mul3A_66 = arith.muli %mul3A_65, %rem3A_64 : i32
      %multiple_of3A = tpu.assume_multiple %mul3A_66, 16 : i32
      %dma_start3A = arith.constant 0 : i32
      %dma_start3A_67 = arith.constant 0 : i32
      %dma_start3A_68 = tpu.memref_slice %arg10[%multiple_of3A, %dma_start3A_67] : memref<256x128xf32, #tpu.memory_space<vmem>> -> memref<16x128xf32, #tpu.memory_space<vmem>>
      %dma_start3A_69 = arith.constant 0 : i32
      %dma_start3A_70 = tpu.memref_slice %arg12[%dma_start3A, %dma_start3A_69] : memref<2x16xi32, #tpu.memory_space<vmem>> -> memref<1x16xi32, #tpu.memory_space<vmem>>
      %dma_start3A_71 = tpu.memref_squeeze %dma_start3A_70 : memref<1x16xi32, #tpu.memory_space<vmem>> -> memref<16xi32, #tpu.memory_space<vmem>>
      %dma_start3A_72 = arith.constant 0 : i32
      %dma_start3A_73 = arith.constant 0 : i32
      %dma_start3A_74 = tpu.memref_slice %arg5[%dma_start3A_72, %dma_start3A_73] : memref<16512x128xf32, #tpu.memory_space<hbm>> -> memref<16512x128xf32, #tpu.memory_space<hbm>>
      tpu.enqueue_indirect_dma source(%dma_start3A_68 : memref<16x128xf32, #tpu.memory_space<vmem>>) target(%dma_start3A_74 : memref<16512x128xf32, #tpu.memory_space<hbm>>) offsets(%dma_start3A_71 : memref<16xi32, #tpu.memory_space<vmem>>) semaphore(%arg14 : memref<!tpu.dma_semaphore, #tpu.memory_space<semaphore_mem>>)
      %dma_wait3A = arith.constant 0 : i32
      %dma_wait3A_75 = arith.constant 0 : i32
      %dma_wait3A_76 = tpu.memref_slice %arg10[%multiple_of3A, %dma_wait3A_75] : memref<256x128xf32, #tpu.memory_space<vmem>> -> memref<16x128xf32, #tpu.memory_space<vmem>>
      %dma_wait3A_77 = arith.constant 0 : i32
      %dma_wait3A_78 = tpu.memref_slice %arg12[%dma_wait3A, %dma_wait3A_77] : memref<2x16xi32, #tpu.memory_space<vmem>> -> memref<1x16xi32, #tpu.memory_space<vmem>>
      %dma_wait3A_79 = tpu.memref_squeeze %dma_wait3A_78 : memref<1x16xi32, #tpu.memory_space<vmem>> -> memref<16xi32, #tpu.memory_space<vmem>>
      %dma_wait3A_80 = arith.constant 0 : i32
      %dma_wait3A_81 = arith.constant 0 : i32
      %dma_wait3A_82 = tpu.memref_slice %arg5[%dma_wait3A_80, %dma_wait3A_81] : memref<16512x128xf32, #tpu.memory_space<hbm>> -> memref<16512x128xf32, #tpu.memory_space<hbm>>
      tpu.wait_indirect_dma semaphore(%arg14 : memref<!tpu.dma_semaphore, #tpu.memory_space<semaphore_mem>>) src(%dma_wait3A_76 : memref<16x128xf32, #tpu.memory_space<vmem>>) dst(%dma_wait3A_82 : memref<16512x128xf32, #tpu.memory_space<hbm>>)
      %get3A_83 = arith.constant 1 : i32
      %get3A_84 = arith.index_cast %get3A_83 : i32 to index
      %get3A_85 = arith.constant 0 : index
      %get3A_86 = tpu.vector_load %arg12[%get3A_84, %get3A_85] {strides = array<i32>} : memref<2x16xi32, #tpu.memory_space<vmem>>, vector<16xi32>,
      %swap3A_87 = arith.constant 0 : i32
      %swap3A_88 = arith.index_cast %swap3A_87 : i32 to index
      %swap3A_89 = arith.constant 0 : index
      %swap3A_90 = tpu.vector_load %arg12[%swap3A_88, %swap3A_89] {strides = array<i32>} : memref<2x16xi32, #tpu.memory_space<vmem>>, vector<16xi32>,
      tpu.vector_store %arg12[%swap3A_88, %swap3A_89], %get3A_86 {strides = array<i32>} : memref<2x16xi32, #tpu.memory_space<vmem>>, vector<16xi32>,
      %get3A_91 = arith.constant 16 : index
      %get3A_92 = tpu.vector_load %arg11[%get3A_91] {strides = array<i32>} : memref<32xi32, #tpu.memory_space<vmem>>, vector<16xi32>,
      %swap3A_93 = arith.constant 0 : index
      %swap3A_94 = tpu.vector_load %arg11[%swap3A_93] {strides = array<i32>} : memref<32xi32, #tpu.memory_space<vmem>>, vector<16xi32>,
      tpu.vector_store %arg11[%swap3A_93], %get3A_92 {strides = array<i32>} : memref<32xi32, #tpu.memory_space<vmem>>, vector<16xi32>,
    } else {
    }
    return
  }
}

</mosaic_0001>

<sc_bundles>
// kernel: kernel.3.cloned.1.call-start
scs
__scs_entry_jumppad:
0x0: {  	(pc) =	sbr.rel $0x88, $3  }
0x1: {  	(tag) =	ssettag $0x0;
	lr =	simm.s32 $0x1  }
0x2: {  	[smem:$0x3F9F] =	sst lr;
	_ =	strace $0xD0000000  }
0x3: {  	_ = 	snop  }
0x4: {  	_ = 	snop  }
0x5: {  	_ = 	snop  }
0x6: {  	_ = 	snop  }
0x7: {  	_ = 	snop  }
__scs_overlays_trampoline_lowered:
0x8: {  	[smem:$0x3FAE] =	sst s0  }
0x9: {  	[smem:$0x3FAF] =	sst s1  }
0xa: {  	[smem:$0x3FB0] =	sst s2  }
0xb: {  	[smem:$0x3FB1] =	sst s3  }
0xc: {  	[smem:$0x3FB2] =	sst s4  }
0xd: {  	[smem:$0x3FB3] =	sst s5  }
0xe: {  	[smem:$0x3FB4] =	sst s6  }
0xf: {  	[smem:$0x3FB5] =	sst s7  }
0x10: {  	[smem:$0x3FB6] =	sst s8  }
0x11: {  	[smem:$0x3FB7] =	sst s9;
	s0 =	simm.s32 @!p0 $0x0  }
0x12: {  	s1 =	sld [smem:$0x3F9D];
	s0 =	simm.s32 @p0 $0x1  }
0x13: {  	[smem:$0x3FB8] =	sst s0;
	s0 =	simm.s32 @!p1 $0x0  }
0x14: {  	s2 =	sld [smem:$0x3F9C];
	s0 =	simm.s32 @p1 $0x1  }
0x15: {  	[smem:$0x3FB9] =	sst s0;
	s0 =	simm.s32 @!p2 $0x0  }
0x16: {  	s3 =	sld [smem:$0x3FDB];
	s0 =	simm.s32 @p2 $0x1  }
0x17: {  	s4 =	simm.s32 $0x1BF5;
	[smem:$0x3FBB] =	sst s0  }
0x18: {  	s0 =	sld [smem:$0x3F9E];
	_ =	swait.ge [sflag:s4], $0x0  }
0x19: {  	s7 =	sld [smem:$0x3F9F]  }
0x1a: {  	s8 =	sadd.s32 $0xFFFFE003, lr  }
0x1b: {  	s9 =	sadd.s32 $0xFFFFFEF7, lr;
	s5 =	simm.s32 $0xFFFFFFFF;
	p2 =	slt.u32 s8, $0xFFFFF086  }
0x1c: {  	p1 =	slt.u32 s9, $0xF7A;
	s5 =	simm.s32 @!p2 $0x0  }
0x1d: {  	s5 =	simm.s32 @p1 $0x1;
	p0 =	seq.s32 s7, s2  }
0x1e: {  	s7 =	smul.u32 @!p0 $0xF7A, s2;
	p2 =	seq.s32 @!p0 s5, $0x0  }
0x1f: {  	s9 =	smul.u32 $0xF7A, s1;
	s8 =	simm.s32 @!p0 $0x1BF5;
	p2 =	por !p2, p0  }
0x20: {  	[sflag:s8] =	ssyncset.s32 @!p0 $0xFFFFF086;
	s6 =	sadd.s32 @!p0 s3, s7;
	s7 =	simm.s32 @!p0 $0x108  }
0x21: {  	s3 =	sadd.s32 s3, s9;
	s6 =	sadd.s32 @!p0 $0x88, s6;
	s7 =	simm.s32 @p2 $0x1082  }
0x22: {  	[simem:s7], [sflag:s8] =	dma.local @!p0 [hbm:s6], $0xF7A  }
0x23: {  	s9 =	sor.u32 $0xD0000000, s2;
	s6 =	simm.s32 $0x108;
	_ =	swait.ge @!p0 [sflag:s8], $0x0  }
0x24: {  	s3 =	sadd.s32 $0x88, s3;
	s6 =	simm.s32 @!p1 $0x1082;
	[sflag:s4] =	ssyncset.s32 $0xFFFFF086  }
0x25: {  	[simem:s6], [sflag:s4] =	dma.local [hbm:s3], $0xF7A  }
0x26: {  	[smem:$0x3F9F] =	sst s1;
	(tag) =	ssettag s2;
	_ =	strace s9  }
0x27: {  	s1 =	sld [smem:$0x3FAF]  }
0x28: {  	s2 =	sld [smem:$0x3FB0]  }
0x29: {  	s4 =	sld [smem:$0x3FB2]  }
0x2a: {  	p0 =	seq.s32 s5, $0x0;
	s5 =	sld [smem:$0x3FB3]  }
0x2b: {  	s6 =	sld [smem:$0x3FB4]  }
0x2c: {  	s7 =	sld [smem:$0x3FB5]  }
0x2d: {  	s3 =	simm.s32 $0x108;
	s8 =	sld [smem:$0x3FB6]  }
0x2e: {  	s3 =	simm.s32 @!p0 $0x1082;
	s9 =	sld [smem:$0x3FB7]  }
0x2f: {  	lr =	sadd.s32 s0, s3;
	s0 =	sld [smem:$0x3FAE]  }
0x30: {  	s3 =	sld [smem:$0x3FB1]  }
0x31: {  	[smem:$0x3FBA] =	sst s10  }
0x32: {  	s10 =	sld [smem:$0x3FB8];
	_ =	sdelay $0x3  }
0x33: {  	p0 =	seq.s32 s10, $0x1;
	s10 =	sld [smem:$0x3FBA];
	_ =	sdelay $0x3  }
0x34: {  	[smem:$0x3FBA] =	sst s10  }
0x35: {  	s10 =	sld [smem:$0x3FB9];
	_ =	sdelay $0x3  }
0x36: {  	p1 =	seq.s32 s10, $0x1;
	s10 =	sld [smem:$0x3FBA];
	_ =	sdelay $0x3  }
0x37: {  	[smem:$0x3FBA] =	sst s10  }
0x38: {  	s10 =	sld [smem:$0x3FBB]  }
0x39: {  	_ = 	snop;
	(pc) =	sbr.ind lr, $3  }
0x3a: {  	_ = 	snop  }
0x3b: {  	_ = 	snop  }
0x3c: {  	p2 =	seq.s32 s10, $0x1;
	s10 =	sld [smem:$0x3FBA]  }
0x3d: {  	_ =	shalt  }
0x3e: {  	_ =	shalt  }
0x3f: {  	_ =	shalt  }
0x40: {  	_ =	shalt  }
0x41: {  	_ =	shalt  }
0x42: {  	_ =	shalt  }
0x43: {  	_ =	shalt  }
0x44: {  	_ =	shalt  }
0x45: {  	_ =	shalt  }
0x46: {  	_ =	shalt  }
0x47: {  	_ =	shalt  }
0x48: {  	_ =	shalt  }
0x49: {  	_ =	shalt  }
0x4a: {  	_ =	shalt  }
0x4b: {  	_ =	shalt  }
0x4c: {  	_ =	shalt  }
0x4d: {  	_ =	shalt  }
0x4e: {  	_ =	shalt  }
0x4f: {  	_ =	shalt  }
0x50: {  	_ =	shalt  }
0x51: {  	_ =	shalt  }
0x52: {  	_ =	shalt  }
0x53: {  	_ =	shalt  }
0x54: {  	_ =	shalt  }
0x55: {  	_ =	shalt  }
0x56: {  	_ =	shalt  }
0x57: {  	_ =	shalt  }
0x58: {  	_ =	shalt  }
0x59: {  	_ =	shalt  }
0x5a: {  	_ =	shalt  }
0x5b: {  	_ =	shalt  }
0x5c: {  	_ =	shalt  }
0x5d: {  	_ =	shalt  }
0x5e: {  	_ =	shalt  }
0x5f: {  	_ =	shalt  }
0x60: {  	_ =	shalt  }
0x61: {  	_ =	shalt  }
0x62: {  	_ =	shalt  }
0x63: {  	_ =	shalt  }
0x64: {  	_ =	shalt  }
0x65: {  	_ =	shalt  }
0x66: {  	_ =	shalt  }
0x67: {  	_ =	shalt  }
0x68: {  	_ =	shalt  }
0x69: {  	_ =	shalt  }
0x6a: {  	_ =	shalt  }
0x6b: {  	_ =	shalt  }
0x6c: {  	_ =	shalt  }
0x6d: {  	_ =	shalt  }
0x6e: {  	_ =	shalt  }
0x6f: {  	_ =	shalt  }
0x70: {  	_ =	shalt  }
0x71: {  	_ =	shalt  }
0x72: {  	_ =	shalt  }
0x73: {  	_ =	shalt  }
0x74: {  	_ =	shalt  }
0x75: {  	_ =	shalt  }
0x76: {  	_ =	shalt  }
0x77: {  	_ =	shalt  }
0x78: {  	_ =	shalt  }
0x79: {  	_ =	shalt  }
0x7a: {  	_ =	shalt  }
0x7b: {  	_ =	shalt  }
0x7c: {  	_ =	shalt  }
0x7d: {  	_ =	shalt  }
0x7e: {  	_ =	shalt  }
0x7f: {  	_ =	shalt  }
0x80: {  	_ =	shalt  }
0x81: {  	_ =	shalt  }
0x82: {  	_ =	shalt  }
0x83: {  	_ =	shalt  }
0x84: {  	_ =	shalt  }
0x85: {  	_ =	shalt  }
0x86: {  	_ =	shalt  }
0x87: {  	_ =	shalt  }
.Lfunc_end0:
.L_simem_size_0:
called_computation_lowered:
.L_overlay_start_0:
0x88: {  	s2 =	sld [smem:$0x3FD9]  }
0x89: {  	s3 =	sld [smem:$0x3FFE];
	_ =	sdelay $0x1  }
0x8a: {  	s1 =	srdreg.scid  }
0x8b: {  	s0 =	sand.u32 $0x1, s1  }
0x8c: {  	s17 =	sshll.u32 s0, $0xA;
	s2 =	sadd.s32 s3, s2  }
0x8d: {  	s2 =	sadd.s32 s2, s17  }
0x8e: {  	[smem:$0x3FC6] =	sst s2  }
0x8f: {  	_ = 	snop  }
0x90: {  	s2 =	sld [smem:$0x3FC9]  }
0x91: {  	s18 =	sld [smem:$0x3FC8]  }
0x92: {  	s4 =	sld [smem:$0x3FD0];
	(tm) =	ssettm $0x1  }
0x93: {  	s5 =	sld [smem:$0x3FFB];
	_ =	sdelay $0x3  }
0x94: {  	_ =	strace s5  }
0x95: {  	s5 =	sld [smem:$0x3FFC];
	_ =	sdelay $0x3  }
0x96: {  	_ =	strace s5  }
0x97: {  	s5 =	sld [smem:$0x3FFD];
	_ =	sdelay $0x3  }
0x98: {  	_ =	strace s5  }
0x99: {  	_ =	strace $0x8FFFFFFF  }
0x9a: {  	s19 =	sld [smem:$0x3FDB];
	_ =	sdelay $0x1  }
0x9b: {  	s6 =	simm.s32 $_scs_section_size  }
0x9c: {  	s7 =	simm.s32 $_size__tile_overlayer_lowered;
	s8 =	simm.s32 $_tile_overlayer_lowered  }
0x9d: {  	s22 =	simm.s32 $0x1BFF;
	s21 =	sshll.u32 s8, $0x1;
	s5 =	sadd.s32 s6, s19  }
0x9e: {  	s9 =	simm.s32 $0x0;
	s20 =	sshll.u32 s7, $0x1;
	s7 =	sadd.s32 s21, s5  }
0x9f: {  	[timem:s9], [sflag:s22] =	dma.local [hbm:s7], s20  }
0xa0: {  	_ =	swait.ge [sflag:s22], s20  }
0xa1: {  	s6 =	ssub.s32 $0x0, s20;
	[sflag:s22] =	ssyncset.done $0x0  }
0xa2: {  	[sflag:s22] =	ssyncadd.s32 s6;
	_ =	sdelay $0x1  }
0xa3: {  	s23 =	simm.s32 $0x1B8B  }
0xa4: {  	_ =	swait.ge [sflag:s23], $0x1  }
0xa5: {  	[sflag:s23] =	ssyncset.done $0x0  }
0xa6: {  	s25 =	simm.s32 $0x1B8E;
	s24 =	sld [smem:$0x3FFE];
	[sflag:s23] =	ssyncadd.s32 $0xFFFFFFFF  }
0xa7: {  	s26 =	simm.s32 $execute0_lowered;
	[smem:$0x3FD2] =	sst s25  }
0xa8: {  	s7 =	sshll.u32 s26, $0x1;
	_ =	strace $0x80000046;
	[dreg:$0x1] =	wrdreg $0xFFFFFFFF  }
0xa9: {  	s28 =	simm.s32 $_size_execute0_lowered;
	s5 =	sadd.s32 s5, s7;
	[dreg:$0x0] =	wrdreg $0x0  }
0xaa: {  	s7 =	sshll.u32 s28, $0x1;
	[dreg:$0x2] =	wrdreg s5  }
0xab: {  	[dreg:$0x3] =	wrdreg s7  }
0xac: {  	[dreg:$0x4] =	wrdreg $0xC0  }
0xad: {  	_ =	task [dreg:s9], $0x5FFFF  }
0xae: {  	[dreg:$0x1] =	wrdreg $0xFFFFFFFF  }
0xaf: {  	[dreg:$0x0] =	wrdreg $0x60  }
0xb0: {  	[dreg:$0x2] =	wrdreg s2  }
0xb1: {  	[dreg:$0x3] =	wrdreg s18  }
0xb2: {  	[dreg:$0x4] =	wrdreg s4  }
0xb3: {  	[dreg:$0x5] =	wrdreg s24  }
0xb4: {  	[dreg:$0x6] =	wrdreg $0x9  }
0xb5: {  	_ =	task.clear_ibuf [dreg:s9], $0x7FFFF;
	_ =	strace $0x90000046  }
0xb6: {  	s29 =	simm.s32 $0x9;
	_ =	strace $0x80000048  }
0xb7: {  	_ =	swait.ge [sflag:s29], $0x1  }
0xb8: {  	[sflag:s29] =	ssyncadd.s32 $0xFFFFFFFF  }
0xb9: {  	_ =	strace $0x90000048  }
0xba: {  	_ =	sfence  }
0xbb: {  	s30 =	sld [smem:$0x0];
	_ =	sdelay $0x2  }
0xbc: {  	s31 =	sshll.u32 s1, $0xD;
	s1 =	sshrl.u32 s1, $0x2  }
0xbd: {  	s3 =	sand.u32 $0x4000, s31;
	s1 =	sadd.s32 s1, s30  }
0xbe: {  	s0 =	sor.u32 s3, s0;
	s1 =	sshll.u32 s1, $0x11  }
0xbf: {  	s0 =	sor.u32 s1, s0  }
0xc0: {  	s0 =	sadd.s32 $0x8F2B, s0  }
0xc1: {  	[sflag:s0] =	ssyncadd.remote.s32 $0x1  }
0xc2: {  	_ =	sfence.sel $0xFFFF  }
0xc3: {  	[dreg:$0x0] =	wrdreg $0xFFFFFFFF;
	(pc) =	sbr.abs _section_cstart, $3  }
0xc4: {  	[dreg:$0x1] =	wrdreg $0xFFFFFFFF  }
0xc5: {  	_ =	task.clear_ibuf [dreg:s9], $0x2FFFF;
	_ =	strace $0x9FFFFFFF  }
0xc6: {  	(tm) =	ssettm $0x7FFFFFFF  }
0xc7: {  	_ =	shalt  }
tec
execute0_lowered:
.L_overlay_start_1:
0x0: {  	(tag) =	ssettag $0x1  }
0x1: {  	v0 =	vimm.s32 $0xB80;
	vm14 =	vcmask $0x300;
	vm13 =	vcmask $0x704  }
0x2: {  	vm12 =	vcmask $0xB08;
	vm11 =	vcmask $0xF0C;
	vm10 =	vcmask $0x1310  }
0x3: {  	vm9 =	vcmask $0x1714;
	vm8 =	vcmask $0x1B18;
	vm7 =	vcmask $0x1F1C  }
0x4: {  	vm6 =	vcmask $0x2320;
	vm5 =	vcmask $0x2724;
	vm4 =	vcmask $0x2B28  }
0x5: {  	vm2 =	vcmask $0x2F2C;
	vm3 =	vcmask $0x3330;
	vm1 =	vcmask $0x3734  }
0x6: {  	vm0 =	vcmask $0x3B38;
	v4 =	vlaneseq.u32;
	v6 =	vimm.s32 $0x1B80  }
0x7: {  	v7 =	vimm.s32 $0x2B80;
	v8 =	vimm.s32 $0x3B80;
	v0 =	vsel vm14, $0x0, v0  }
0x8: {  	v6 =	vsel vm14, $0x1000, v6;
	v7 =	vsel vm14, $0x2000, v7;
	v8 =	vsel vm14, $0x3000, v8  }
0x9: {  	v0 =	vsel vm13, $0x80, v0;
	v6 =	vsel vm13, $0x1080, v6;
	v7 =	vsel vm13, $0x2080, v7  }
0xa: {  	v8 =	vsel vm13, $0x3080, v8;
	v0 =	vsel vm12, $0x100, v0;
	v6 =	vsel vm12, $0x1100, v6  }
0xb: {  	v7 =	vsel vm12, $0x2100, v7;
	v8 =	vsel vm12, $0x3100, v8;
	v0 =	vsel vm11, $0x180, v0  }
0xc: {  	s0 =	srdreg.scid;
	v6 =	vsel vm11, $0x1180, v6;
	v7 =	vsel vm11, $0x2180, v7;
	v8 =	vsel vm11, $0x3180, v8  }
0xd: {  	s7 =	stileid.u32;
	s18 =	rddreg [dreg:$0x2];
	v0 =	vsel vm10, $0x200, v0;
	v6 =	vsel vm10, $0x1200, v6;
	v7 =	vsel vm10, $0x2200, v7  }
0xe: {  	s29 =	rddreg [dreg:$0x3];
	s0 =	sand.u32 $0x1, s0;
	s1 =	sshll.u32 s7, $0x1;
	v8 =	vsel vm10, $0x3200, v8;
	v0 =	vsel vm9, $0x280, v0;
	v6 =	vsel vm9, $0x1280, v6  }
0xf: {  	s9 =	simm.s32 $0x0;
	s19 =	simm.s32 $0x4000;
	s3 =	sor.u32 s0, s1;
	v7 =	vsel vm9, $0x2280, v7;
	v8 =	vsel vm9, $0x3280, v8;
	v0 =	vsel vm8, $0x300, v0  }
0x10: {  	s20 =	simm.s32 $0x8000;
	s21 =	simm.s32 $0x3;
	s1 =	smul.u32 $0x7B, s3;
	v6 =	vsel vm8, $0x1300, v6;
	v7 =	vsel vm8, $0x2300, v7;
	v8 =	vsel vm8, $0x3300, v8  }
0x11: {  	s24 =	simm.s32 $0xC000;
	s25 =	simm.s32 $0x1;
	s26 =	simm.s32 $0x1C000;
	v0 =	vsel vm7, $0x380, v0;
	v6 =	vsel vm7, $0x1380, v6;
	v7 =	vsel vm7, $0x2380, v7  }
0x12: {  	s28 =	simm.s32 $0x1C080;
	s8 =	smul.u32 $0xFFFFFF0A, s7;
	s2 =	ssub.s32 $0xF42, s1;
	v8 =	vsel vm7, $0x3380, v8;
	v0 =	vsel vm6, $0x800, v0;
	v6 =	vsel vm6, $0x1800, v6  }
0x13: {  	s23 =	simm.s32 $0x0;
	s5 =	smul.u32 $0x7B00, s3;
	s2 =	smin.u32 s2, $0x7B;
	v7 =	vsel vm6, $0x2800, v7;
	v8 =	vsel vm6, $0x3800, v8;
	v0 =	vsel vm5, $0x880, v0  }
0x14: {  	[smem:$0x7FF] =	sst s9;
	s12 =	sadd.s32 $0x80, s18;
	s4 =	sshll.u32 s2, $0x8;
	v6 =	vsel vm5, $0x1880, v6;
	v7 =	vsel vm5, $0x2880, v7;
	v8 =	vsel vm5, $0x3880, v8  }
0x15: {  	s13 =	sadd.s32 $0x100, s18;
	p0 =	seq.s32 s3, $0x1F;
	s4 =	sadd.s32 s5, s4;
	v1 =	vsel vm4, $0x900, v0;
	v0 =	vmov s5;
	v6 =	vsel vm4, $0x1900, v6  }
0x16: {  	s14 =	sadd.s32 $0x180, s18;
	s15 =	sadd.s32 $0x200, s18;
	s4 =	simm.s32 @p0 $0xF4240;
	v7 =	vsel vm4, $0x2900, v7;
	v8 =	vsel vm4, $0x3900, v8;
	v2 =	vsel vm2, $0x980, v1  }
0x17: {  	s16 =	sadd.s32 $0x280, s18;
	s6 =	smul.u32 $0xFFFFFF85, s0;
	s3 =	sor.u32 $0x4000, s3;
	v1 =	vmov s4;
	v6 =	vsel vm2, $0x1980, v6;
	v7 =	vsel vm2, $0x2980, v7  }
.Ltmp0:
0x18: {  	s17 =	sadd.s32 $0x300, s18;
	s0 =	ssub.s32 $0x2, s0;
	v8 =	vsel vm2, $0x3980, v8;
	v3 =	vsel vm3, $0xA00, v2;
	v2 =	vmov s3;
	(pc) =	sbr.rel .LBB2_1-.Ltmp0, $4  }
0x19: {  	s18 =	sadd.s32 $0x380, s18;
	s30 =	sshrl.u32 s0, $0x1;
	s6 =	sadd.s32 s8, s6;
	v6 =	vsel vm3, $0x1A00, v6;
	v7 =	vsel vm3, $0x2A00, v7;
	v8 =	vsel vm3, $0x3A00, v8  }
0x1a: {  	s8 =	sadd.s32 $0x400, s29;
	s0 =	ssub.s32 s0, s30;
	s4 =	rddreg [dreg:$0x1];
	v5 =	vsel vm1, $0xA80, v3;
	v3 =	vimm.s32 $0x0;
	v6 =	vsel vm1, $0x1A80, v6  }
0x1b: {  	s31 =	sadd.s32 $0xF42, s6;
	s11 =	smax.u32 s0, $0x1;
	s5 =	sadd.s32 s4, s5;
	v7 =	vsel vm1, $0x2A80, v7;
	v8 =	vsel vm1, $0x3A80, v8;
	v5 =	vsel vm0, $0xB00, v5  }
0x1c: {  	s10 =	smin.u32 s31, $0x7B;
	_ =	strace $0x80000047;
	[dreg:$0x5] =	wrdreg s5;
	v6 =	vsel vm0, $0x1B00, v6;
	v7 =	vsel vm0, $0x2B00, v7;
	v8 =	vsel vm0, $0x3B00, v8  }
.LBB2_22:
0x1d: {  	p0 =	slt.s32 s0, $0x1  }
0x1e: {  	s3 =	sshra.s32 @!p0 s29, $0x1F  }
0x1f: {  	v9 =	vld @!p0 [tilespmem:$0x1C080];
	s3 =	sshrl.u32 @!p0 s3, $0x1C  }
0x20: {  	s3 =	sadd.s32 @!p0 s3, s29  }
0x21: {  	s3 =	sand.u32 @!p0 $0x7FFF0, s3  }
0x22: {  	v10 =	vmov @!p0 s0;
	v11 =	vlaneseq.u32 @!p0;
	s0 =	ssub.s32 @!p0 s29, s3  }
0x23: {  	vm0 =	vgt.s32 @!p0 v10, v11;
	s0 =	sshll.u32 @!p0 s0, $0xD  }
0x24: {  	v9 =	vsel @!p0 vm0, v9, v2;
	s0 =	sshra.s32 @!p0 s0, $0x2  }
0x25: {  	s5 =	simm.s32 @!p0 $0x1C080;
	s3 =	simm.s32 @!p0 $0x10;
	[tilespmem:$0x1C080] =	vst @!p0 v9;
	s0 =	sadd.s32 @!p0 $0x14000, s0  }
0x26: {  	[hbm4b:s8+s3] =	stream.indirect.scatter @!p0 [tilespmem:s0], [sflag:$0x2], $0x80, s5, s3, $0xb8;
	[tilespmem:$0x1C180] =	vst v63  }
0x27: {  	s0 =	simm.s32 @!p0 $0x2  }
0x28: {  	_ =	swait.ge @!p0 [sflag:s0], $0x800  }
0x29: {  	[sflag:s0] =	ssyncset.done @!p0 $0x0  }
0x2a: {  	[sflag:s0] =	ssyncadd.s32 @!p0 $0xFFFFF800  }
0x2b: {  	s23 =	sadd.s32 $0x1, s23;
	v9 =	vld @!p0 [tilespmem:$0x1C100]  }
0x2c: {  	p1 =	sne.s32 s23, s11;
	v10 =	vld @!p0 [tilespmem:$0x1C010]  }
.Ltmp1:
0x2d: {  	_ = 	snop;
	(pc) =	sbr.rel @!p1 .LBB2_23-.Ltmp1, $3  }
0x2e: {  	_ =	sdelay $0x1  }
0x2f: {  	[tilespmem:$0x1C080] =	vst @!p0 v9  }
0x30: {  	[tilespmem:$0x1C000] =	vst @!p0 v10  }
.LBB2_1:
0x31: {  	s0 =	rddreg [dreg:$0x0];
	s3 =	simm.s32 $0x0  }
0x32: {  	[tilespmem:s3], [sflag:$0x3] =	stream.linear.gather [hbm4b:s0+s3], $0x4000, $0x38;
	[tilespmem:$0x1C180] =	vst v63  }
0x33: {  	_ =	swait.ge [sflag:s21], $0x4000  }
0x34: {  	[sflag:s21] =	ssyncset.done $0x0  }
0x35: {  	s31 =	sand.u32 $0x3FF0, s3;
	[sflag:s21] =	ssyncadd.s32 $0xFFFFC000  }
0x36: {  	v11 =	vimm.s32 $0x0;
	v10 =	vimm.s32 $0x0;
	s3 =	simm.s32 $0x10;
	s0 =	simm.s32 $0x0;
	v9 =	vld [tilespmem:s31+$0x0]  }
.LBB2_2:
0x37: {  	p0 =	sne.s32 s3, $0x3FF0;
	_ =	sdelay $0x3  }
0x38: {  	vm0 =	vge.s32 v9, v0;
	vm1 =	vlt.s32 v9, v1  }
0x39: {  	vm0 =	vmand vm0, vm1  }
0x3a: {  	v12 =	vsel vm0, $0x1, v3;
	v13 =	vmpcnt.ones.xlane vm0  }
0x3b: {  	(xrf0) =	vadd.scan.msk.s32 $0xffff, v12  }
0x3c: {  	v11 =	vadd.s32 v11, v13;
	_ =	sdelay $0x3  }
0x3d: {  	v12 =	vsel vm0, $0xFFFFFFFF, v3  }
0x3e: {  	v12 =	vadd.s32 v12, v10;
	v10 =	vmov v11;
	v13, _, _ =	vpop (xrf0)  }
0x3f: {  	v12 =	vadd.s32 v13, v12;
	_ =	sdelay $0x2  }
.Ltmp2:
0x40: {  	(pc) =	sbr.rel @p0 .LBB2_2-.Ltmp2, $4  }
0x41: {  	_ = 	snop  }
0x42: {  	[tilespmem:v12+s19+$0x0] =	vst.idx.msk vm0, v9;
	v9 =	vor.u32 s0, v4;
	s0 =	smov.u32 s3  }
0x43: {  	s5 =	sand.u32 $0x3FF0, s3;
	[tilespmem:v12+s20+$0x0] =	vst.idx.msk vm0, v9  }
0x44: {  	s3 =	sadd.s32 $0x10, s3;
	v9 =	vld [tilespmem:s5+$0x0]  }
0x45: {  	_ =	sdelay $0x3  }
0x46: {  	vm0 =	vge.s32 v9, v0;
	vm1 =	vlt.s32 v9, v1  }
0x47: {  	vm0 =	vmand vm0, vm1  }
0x48: {  	v12 =	vmpcnt.ones.xlane vm0  }
0x49: {  	v13 =	vsel vm0, $0x1, v3  }
0x4a: {  	(xrf0) =	vadd.scan.msk.s32 $0xffff, v13;
	v11 =	vadd.s32 v11, v12  }
0x4b: {  	(v2sf) =	vpush v11, $0x0;
	_ =	sdelay $0x3  }
0x4c: {  	v62 =	vsel vm0, $0xFFFFFFFF, v3  }
0x4d: {  	v10 =	vadd.s32 v62, v10;
	v63, _, _ =	vpop (xrf0)  }
0x4e: {  	v10 =	vadd.s32 v63, v10;
	_ =	sdelay $0x4  }
0x4f: {  	[tilespmem:v10+s19+$0x0] =	vst.idx.msk vm0, v9;
	v9 =	vor.u32 s0, v4  }
0x50: {  	s22 =	rddreg [dreg:$0x5];
	s3 =	simm.s32 $0x800;
	s5 =	simm.s32 $0x7A1400;
	[tilespmem:v10+s20+$0x0] =	vst.idx.msk vm0, v9  }
0x51: {  	[tilespmem:s24], [sflag:$0x1] =	stream.strided.gather [hbm4b:s22+s3], $0x4000, s5, s3, $0x38;
	[tilespmem:$0x1C180] =	vst v63  }
.Ltmp3:
0x52: {  	_ = 	snop;
	(pc) =	sbr.rel .LBB2_4-.Ltmp3, $4  }
0x53: {  	s31 =	spop (v2sf)  }
0x54: {  	s0 =	sadd.s32 $0xF, s31  }
0x55: {  	s29 =	simm.s32 $0x0;
	s30 =	sshra.s32 s0, $0x4  }
0x56: {  	s6 =	simm.s32 $0x0;
	v9 =	vbroadcast v11, $0x0;
	s0 =	simm.s32 $0x0;
	p0 =	slt.s32 s30, $0x1  }
.LBB2_5:
0x57: {  	p1 =	sne.s32 s6, s10  }
.Ltmp4:
0x58: {  	_ = 	snop;
	(pc) =	sbr.rel @!p1 .LBB2_6-.Ltmp4, $1  }
0x59: {  	_ =	sdelay $0x3  }
.LBB2_4:
0x5a: {  	s3 =	smov.u32 s6;
	s6 =	sadd.s32 $0x1, s6  }
0x5b: {  	p1 =	sge.u32 s6, s2  }
0x5c: {  	s22 =	sadd.s32 @!p1 s1, s6  }
0x5d: {  	s5 =	sshll.u32 @!p1 s6, $0xE;
	s7 =	simm.s32 @!p1 $0x7A1400;
	s22 =	sshll.u32 @!p1 s22, $0x8  }
0x5e: {  	s31 =	simm.s32 @!p1 $0x800;
	s5 =	sand.u32 @!p1 $0x4000, s5;
	s22 =	sand.u32 @!p1 $0x1FFFFF00, s22  }
.Ltmp5:
0x5f: {  	s5 =	sadd.s32 @!p1 $0xC000, s5;
	s22 =	sadd.s32 @!p1 s4, s22;
	(pc) =	sbr.rel @p0 .LBB2_5-.Ltmp5, $4  }
0x60: {  	[tilespmem:s5], [sflag:$0x1] =	stream.strided.gather @!p1 [hbm4b:s22+s31], $0x4000, s7, s31, $0x38;
	[tilespmem:$0x1C180] =	vst v63  }
0x61: {  	_ =	swait.ge [sflag:s25], $0x4000  }
0x62: {  	[sflag:s25] =	ssyncset.done $0x0  }
0x63: {  	[sflag:s25] =	ssyncadd.s32 $0xFFFFC000  }
.Ltmp6:
0x64: {  	(pc) =	sbr.rel .LBB2_11-.Ltmp6, $4  }
0x65: {  	s5 =	sadd.s32 s1, s3;
	s22 =	sand.u32 $0x1, s3  }
0x66: {  	s5 =	sshll.u32 s5, $0x8;
	s3 =	sshll.u32 s22, $0xE  }
0x67: {  	s7 =	sadd.s32 $0x100, s5;
	v10 =	vmov s5;
	v12 =	vor.u32 s3, v5;
	v13 =	vor.u32 s3, v6  }
0x68: {  	s31 =	smov.u32 s0;
	v14 =	vor.u32 s3, v7;
	v15 =	vor.u32 s3, v8;
	s3 =	simm.s32 $0x0;
	v11 =	vmov s7  }
.LBB2_13:
0x69: {  	_ = 	snop  }
.LBB2_16:
0x6a: {  	_ =	sdelay $0x2  }
0x6b: {  	[tilespmem:s5+$0x30] =	vst @p1 v17  }
0x6c: {  	v16 =	vld.idx.msk [tilespmem:v16+s26+$0x0], $0xffff;
	_ =	sdelay $0x4  }
0x6d: {  	v17 =	vand.u32 $0x7F, v16;
	v16 =	vshll.u32 v16, $0x3  }
0x6e: {  	p1 =	sgt.s32 s31, $0xF;
	s5 =	simm.s32 $0x1;
	v16 =	vand.u32 $0xFFFFFC00, v16;
	v18 =	vor.u32 v17, v12  }
0x6f: {  	s5 =	simm.s32 @!p1 $0x0;
	v18 =	vadd.s32 v16, v18  }
0x70: {  	s5 =	sadd.s32 s5, s29  }
0x71: {  	s9 =	sshra.s32 s31, $0x1F;
	s7 =	sshra.s32 s5, $0x1F  }
0x72: {  	s9 =	sshrl.u32 s9, $0x1C;
	s7 =	sshrl.u32 s7, $0x1C  }
0x73: {  	s9 =	sadd.s32 s9, s31;
	s7 =	sadd.s32 s7, s5  }
0x74: {  	s9 =	sand.u32 $0x7FFFF0, s9;
	s7 =	sand.u32 $0x7FFF0, s7;
	v19 =	vor.u32 v17, v13;
	v18 =	vld.idx.msk [tilespmem:v18+s24+$0x0], $0xffff  }
0x75: {  	s31 =	ssub.s32 s31, s9;
	s5 =	ssub.s32 s5, s7;
	v19 =	vadd.s32 v16, v19  }
0x76: {  	s7 =	sshll.u32 s31, $0x9;
	s5 =	sshll.u32 s5, $0xD  }
0x77: {  	s7 =	sshra.s32 s7, $0x2;
	s5 =	sshra.s32 s5, $0x2  }
0x78: {  	s5 =	sadd.s32 s7, s5  }
0x79: {  	[tilespmem:s5+$0x14000] =	vst v18  }
0x7a: {  	v63 =	vor.u32 v17, v14;
	v19 =	vld.idx.msk [tilespmem:v19+s24+$0x0], $0xffff  }
0x7b: {  	v18 =	vadd.s32 v16, v63;
	_ =	sdelay $0x2  }
0x7c: {  	s5 =	sadd.s32 $0x14000, s5  }
0x7d: {  	[tilespmem:s5+$0x10] =	vst v19  }
0x7e: {  	v17 =	vor.u32 v17, v15;
	v18 =	vld.idx.msk [tilespmem:v18+s24+$0x0], $0xffff  }
0x7f: {  	v16 =	vadd.s32 v16, v17;
	_ =	sdelay $0x3  }
0x80: {  	[tilespmem:s5+$0x20] =	vst v18  }
0x81: {  	v16 =	vld.idx.msk [tilespmem:v16+s24+$0x0], $0xffff;
	_ =	sdelay $0x4  }
0x82: {  	[tilespmem:s5+$0x30] =	vst v16  }
.LBB2_17:
0x83: {  	p1 =	slt.s32 s0, $0x10  }
0x84: {  	s5 =	sshra.s32 @!p1 s29, $0x1F  }
0x85: {  	s5 =	sshrl.u32 @!p1 s5, $0x1C  }
0x86: {  	s5 =	sadd.s32 @!p1 s5, s29  }
0x87: {  	s5 =	sand.u32 @!p1 $0x7FFF0, s5  }
0x88: {  	s5 =	ssub.s32 @!p1 s29, s5  }
0x89: {  	s5 =	sshll.u32 @!p1 s5, $0xD  }
0x8a: {  	s5 =	sshra.s32 @!p1 s5, $0x2  }
0x8b: {  	s7 =	simm.s32 @!p1 $0x10;
	s9 =	simm.s32 @!p1 $0x1C080;
	s5 =	sadd.s32 @!p1 $0x14000, s5  }
0x8c: {  	[hbm4b:s8+s7] =	stream.indirect.scatter @!p1 [tilespmem:s5], [sflag:$0x2], $0x80, s9, s7, $0xb8;
	[tilespmem:$0x1C180] =	vst v63  }
0x8d: {  	s5 =	simm.s32 @!p1 $0x2  }
0x8e: {  	_ =	swait.ge @!p1 [sflag:s5], $0x800  }
0x8f: {  	[sflag:s5] =	ssyncset.done @!p1 $0x0  }
0x90: {  	p2 =	sgt.s32 s0, $0xF;
	[sflag:s5] =	ssyncadd.s32 @!p1 $0xFFFFF800  }
0x91: {  	s3 =	sadd.s32 $0x1, s3;
	s7 =	simm.s32 $0x1;
	s5 =	sadd.s32 $0xFFFFFFF0, s0;
	v16 =	vld @!p1 [tilespmem:$0x1C100]  }
0x92: {  	s7 =	simm.s32 @!p2 $0x0;
	v17 =	vld @!p1 [tilespmem:$0x1C010];
	s0 =	smov.u32 @p2 s5;
	p2 =	seq.s32 s3, s30  }
.Ltmp7:
0x93: {  	_ = 	snop;
	(pc) =	sbr.rel @p2 .LBB2_5-.Ltmp7, $3  }
0x94: {  	_ =	sdelay $0x1  }
0x95: {  	[tilespmem:$0x1C080] =	vst @!p1 v16  }
0x96: {  	s29 =	sadd.s32 s7, s29;
	s31 =	smov.u32 s0;
	[tilespmem:$0x1C000] =	vst @!p1 v17  }
.LBB2_11:
0x97: {  	s0 =	sshll.u32 s3, $0x4  }
0x98: {  	v16 =	vld [tilespmem:s0+$0x4000];
	_ =	sdelay $0x3  }
0x99: {  	v17 =	vor.u32 s0, v4  }
0x9a: {  	vm1 =	vlt.s32 v17, v9;
	vm0 =	vlt.s32 v16, v11  }
0x9b: {  	vm2 =	vge.s32 v16, v10;
	vm0 =	vmand vm0, vm1  }
0x9c: {  	vm0 =	vmand vm0, vm2  }
0x9d: {  	v17 =	vmpcnt.ones.xlane vm0;
	_ =	sdelay $0x1  }
0x9e: {  	(v2sf) =	vpush v17, $0x0;
	_ =	sdelay $0x5  }
0x9f: {  	v17 =	vsel vm0, $0x1, v3  }
0xa0: {  	(xrf0) =	vadd.scan.msk.s32 $0xffff, v17;
	_ =	sdelay $0x4  }
0xa1: {  	v17 =	vsel vm0, $0xFFFFFFFF, v3  }
0xa2: {  	v17 =	vadd.s32 s31, v17;
	v18, _, _ =	vpop (xrf0)  }
0xa3: {  	v17 =	vadd.s32 v18, v17  }
0xa4: {  	v18 =	vshll.u32 v17, $0x3;
	s5 =	spop (v2sf)  }
0xa5: {  	v63 =	vld [tilespmem:s0+$0x8000];
	v19 =	vand.u32 $0xF, v17;
	v18 =	vand.u32 $0xFFFFFF80, v18;
	s0 =	sadd.s32 s31, s5  }
0xa6: {  	v18 =	vor.u32 v19, v18;
	p1 =	sge.s32 s31, s0  }
.Ltmp8:
0xa7: {  	_ = 	snop;
	(pc) =	sbr.rel @p1 .LBB2_17-.Ltmp8, $4  }
0xa8: {  	_ = 	snop  }
0xa9: {  	v16 =	vsub.s32 v16, v10  }
0xaa: {  	[tilespmem:v17+s26+$0x0] =	vst.idx.msk vm0, v16  }
0xab: {  	[tilespmem:v18+s28+$0x0] =	vst.idx.msk vm0, v63  }
0xac: {  	p2 =	sne.s32 s5, $0x1  }
.Ltmp9:
0xad: {  	_ = 	snop;
	(pc) =	sbr.rel @!p2 .LBB2_13-.Ltmp9, $2  }
0xae: {  	_ =	sdelay $0x2  }
0xaf: {  	s22 =	sadd.s32 $0xFFFFFFFF, s5;
	v16 =	vmov s31;
	p1 =	por $0x0, $0x0  }
0xb0: {  	_ =	sdelay $0x3  }
0xb1: {  	v16 =	vld.idx.msk [tilespmem:v16+s26+$0x0], $0xffff;
	_ =	sdelay $0x4  }
0xb2: {  	v17 =	vand.u32 $0x7F, v16;
	v16 =	vshll.u32 v16, $0x3  }
0xb3: {  	p1 =	sgt.s32 s31, $0xF;
	s5 =	simm.s32 $0x1;
	v16 =	vand.u32 $0xFFFFFC00, v16;
	v18 =	vor.u32 v17, v12  }
0xb4: {  	s5 =	simm.s32 @!p1 $0x0;
	v18 =	vadd.s32 v16, v18  }
0xb5: {  	s5 =	sadd.s32 s5, s29  }
0xb6: {  	s9 =	sshra.s32 s31, $0x1F;
	s7 =	sshra.s32 s5, $0x1F  }
0xb7: {  	s9 =	sshrl.u32 s9, $0x1C;
	s7 =	sshrl.u32 s7, $0x1C  }
0xb8: {  	s9 =	sadd.s32 s9, s31;
	s7 =	sadd.s32 s7, s5  }
0xb9: {  	s9 =	sand.u32 $0x7FFFF0, s9;
	v19 =	vor.u32 v17, v13;
	s7 =	sand.u32 $0x7FFF0, s7;
	v18 =	vld.idx.msk [tilespmem:v18+s24+$0x0], $0xffff  }
0xba: {  	s9 =	ssub.s32 s31, s9;
	v19 =	vadd.s32 v16, v19;
	s5 =	ssub.s32 s5, s7  }
0xbb: {  	s7 =	sshll.u32 s9, $0x9;
	s5 =	sshll.u32 s5, $0xD  }
0xbc: {  	s7 =	sshra.s32 s7, $0x2;
	s5 =	sshra.s32 s5, $0x2  }
0xbd: {  	s5 =	sadd.s32 s7, s5  }
0xbe: {  	[tilespmem:s5+$0x14000] =	vst v18  }
0xbf: {  	v18 =	vor.u32 v17, v14;
	v19 =	vld.idx.msk [tilespmem:v19+s24+$0x0], $0xffff  }
0xc0: {  	v18 =	vadd.s32 v16, v18;
	_ =	sdelay $0x2  }
0xc1: {  	s5 =	sadd.s32 $0x14000, s5  }
0xc2: {  	[tilespmem:s5+$0x10] =	vst v19  }
0xc3: {  	v17 =	vor.u32 v17, v15;
	v18 =	vld.idx.msk [tilespmem:v18+s24+$0x0], $0xffff  }
0xc4: {  	v16 =	vadd.s32 v16, v17;
	_ =	sdelay $0x3  }
0xc5: {  	p2 =	sne.s32 s22, $0x1;
	[tilespmem:s5+$0x20] =	vst v18  }
.Ltmp10:
0xc6: {  	s31 =	sadd.s32 $0x1, s31;
	v17 =	vld.idx.msk [tilespmem:v16+s24+$0x0], $0xffff;
	(pc) =	sbr.rel @!p2 .LBB2_16-.Ltmp10, $2  }
0xc7: {  	v16 =	vmov s31;
	_ =	sdelay $0x2  }
0xc8: {  	s22 =	sadd.s32 $0xFFFFFFFF, s22;
	p1 =	por $0x1, $0x1  }
.LBB2_15:
0xc9: {  	p2 =	sne.s32 s22, $0x1;
	s22 =	sadd.s32 $0xFFFFFFFF, s22;
	[tilespmem:s5+$0x30] =	vst v17  }
0xca: {  	v16 =	vld.idx.msk [tilespmem:v16+s26+$0x0], $0xffff;
	_ =	sdelay $0x5  }
0xcb: {  	v17 =	vand.u32 $0x7F, v16;
	v16 =	vshll.u32 v16, $0x3  }
0xcc: {  	v16 =	vand.u32 $0xFFFFFC00, v16;
	v18 =	vor.u32 v17, v12;
	v19 =	vor.u32 v17, v13  }
0xcd: {  	p3 =	sgt.s32 s31, $0xF;
	s5 =	simm.s32 $0x1;
	v20 =	vor.u32 v17, v14;
	v18 =	vadd.s32 v16, v18;
	v19 =	vadd.s32 v16, v19  }
0xce: {  	s5 =	simm.s32 @!p3 $0x0;
	v17 =	vor.u32 v17, v15;
	v20 =	vadd.s32 v16, v20  }
0xcf: {  	s5 =	sadd.s32 s5, s29;
	v16 =	vadd.s32 v16, v17  }
0xd0: {  	s9 =	sshra.s32 s31, $0x1F;
	s7 =	sshra.s32 s5, $0x1F  }
0xd1: {  	s9 =	sshrl.u32 s9, $0x1C;
	s7 =	sshrl.u32 s7, $0x1C  }
0xd2: {  	s9 =	sadd.s32 s9, s31;
	s7 =	sadd.s32 s7, s5;
	v17 =	vld.idx.msk [tilespmem:v18+s24+$0x0], $0xffff  }
0xd3: {  	s9 =	sand.u32 $0x7FFFF0, s9;
	s7 =	sand.u32 $0x7FFF0, s7  }
0xd4: {  	s5 =	ssub.s32 s5, s7;
	s7 =	ssub.s32 s31, s9  }
0xd5: {  	s5 =	sshll.u32 s5, $0xD;
	s7 =	sshll.u32 s7, $0x9  }
0xd6: {  	s5 =	sshra.s32 s5, $0x2;
	s7 =	sshra.s32 s7, $0x2  }
0xd7: {  	s5 =	sadd.s32 s7, s5  }
0xd8: {  	[tilespmem:s5+$0x14000] =	vst v17  }
0xd9: {  	v17 =	vld.idx.msk [tilespmem:v19+s24+$0x0], $0xffff;
	_ =	sdelay $0x4  }
0xda: {  	s5 =	sadd.s32 $0x14000, s5  }
0xdb: {  	[tilespmem:s5+$0x10] =	vst v17  }
0xdc: {  	v17 =	vld.idx.msk [tilespmem:v20+s24+$0x0], $0xffff;
	_ =	sdelay $0x4  }
.Ltmp11:
0xdd: {  	(pc) =	sbr.rel @p2 .LBB2_15-.Ltmp11, $4  }
0xde: {  	[tilespmem:s5+$0x20] =	vst v17  }
0xdf: {  	v17 =	vld.idx.msk [tilespmem:v16+s24+$0x0], $0xffff  }
0xe0: {  	s31 =	sadd.s32 $0x1, s31  }
0xe1: {  	v16 =	vmov s31  }
.Ltmp12:
0xe2: {  	_ = 	snop;
	(pc) =	sbr.rel .LBB2_16-.Ltmp12, $1  }
0xe3: {  	_ =	sdelay $0x3  }
.LBB2_6:
0xe4: {  	s6 =	simm.s32 $0x0;
	s3 =	rddreg [dreg:$0x2]  }
0xe5: {  	[tilespmem:s24], [sflag:$0x3] =	stream.linear.gather [hbm4b:s3+s6], $0x400, $0x38;
	[tilespmem:$0x1C180] =	vst v63  }
0xe6: {  	s22 =	simm.s32 $0xC800  }
0xe7: {  	[tilespmem:s22], [sflag:$0x3] =	stream.linear.gather [hbm4b:s12+s6], $0x400, $0x38;
	[tilespmem:$0x1C180] =	vst v63  }
0xe8: {  	s31 =	simm.s32 $0xD000  }
0xe9: {  	[tilespmem:s31], [sflag:$0x3] =	stream.linear.gather [hbm4b:s13+s6], $0x400, $0x38;
	[tilespmem:$0x1C180] =	vst v63  }
0xea: {  	s5 =	simm.s32 $0xD800  }
0xeb: {  	[tilespmem:s5], [sflag:$0x3] =	stream.linear.gather [hbm4b:s14+s6], $0x400, $0x38;
	[tilespmem:$0x1C180] =	vst v63  }
0xec: {  	s7 =	simm.s32 $0xE000  }
0xed: {  	[tilespmem:s7], [sflag:$0x3] =	stream.linear.gather [hbm4b:s15+s6], $0x400, $0x38;
	[tilespmem:$0x1C180] =	vst v63  }
0xee: {  	s9 =	simm.s32 $0xE800  }
0xef: {  	[tilespmem:s9], [sflag:$0x3] =	stream.linear.gather [hbm4b:s16+s6], $0x400, $0x38;
	[tilespmem:$0x1C180] =	vst v63  }
0xf0: {  	s22 =	simm.s32 $0xF000  }
0xf1: {  	[tilespmem:s22], [sflag:$0x3] =	stream.linear.gather [hbm4b:s17+s6], $0x400, $0x38;
	[tilespmem:$0x1C180] =	vst v63  }
0xf2: {  	p0 =	sgt.s32 s30, $0x0;
	s31 =	simm.s32 $0xF800  }
0xf3: {  	[tilespmem:s31], [sflag:$0x3] =	stream.linear.gather [hbm4b:s18+s6], $0x400, $0x38;
	[tilespmem:$0x1C180] =	vst v63  }
.Ltmp13:
0xf4: {  	_ = 	snop;
	(pc) =	sbr.rel @p0 .LBB2_7-.Ltmp13, $4  }
.Ltmp14:
0xf5: {  	_ = 	snop;
	(pc) =	sbr.rel @!p0 .LBB2_22-.Ltmp14, $4  }
0xf6: {  	_ =	swait.ge [sflag:s21], $0x2000  }
0xf7: {  	[sflag:s21] =	ssyncset.done $0x0  }
0xf8: {  	[sflag:s21] =	ssyncadd.s32 $0xFFFFE000  }
0xf9: {  	_ = 	snop  }
.LBB2_9:
0xfa: {  	_ = 	snop  }
.LBB2_20:
0xfb: {  	_ =	sdelay $0x2  }
0xfc: {  	[tilespmem:s5+$0x30] =	vst @p0 v11  }
0xfd: {  	v10 =	vld.idx.msk [tilespmem:v10+s26+$0x0], $0xffff;
	_ =	sdelay $0x4  }
0xfe: {  	v11 =	vshll.u32 v10, $0x3  }
0xff: {  	v10 =	vand.u32 $0x7F, v10;
	v11 =	vand.u32 $0xFFFFFC00, v11  }
0x100: {  	p0 =	sgt.s32 s0, $0xF;
	s3 =	simm.s32 $0x1;
	v10 =	vor.u32 v10, v11  }
0x101: {  	s3 =	simm.s32 @!p0 $0x0;
	v11 =	vadd.s32 v5, v10  }
0x102: {  	s3 =	sadd.s32 s3, s29  }
0x103: {  	s7 =	sshra.s32 s0, $0x1F;
	s9 =	sshra.s32 s3, $0x1F  }
0x104: {  	s7 =	sshrl.u32 s7, $0x1C;
	s5 =	sshrl.u32 s9, $0x1C  }
0x105: {  	s7 =	sadd.s32 s7, s0;
	s5 =	sadd.s32 s5, s3  }
0x106: {  	s7 =	sand.u32 $0x7FFFF0, s7;
	s5 =	sand.u32 $0x7FFF0, s5;
	v11 =	vld.idx.msk [tilespmem:v11+s24+$0x0], $0xffff  }
0x107: {  	s22 =	ssub.s32 s0, s7;
	s3 =	ssub.s32 s3, s5;
	v12 =	vadd.s32 v6, v10  }
0x108: {  	s0 =	sshll.u32 s22, $0x9;
	s3 =	sshll.u32 s3, $0xD  }
0x109: {  	s0 =	sshra.s32 s0, $0x2;
	s3 =	sshra.s32 s3, $0x2  }
0x10a: {  	s0 =	sadd.s32 s0, s3  }
0x10b: {  	[tilespmem:s0+$0x14000] =	vst v11  }
0x10c: {  	v11 =	vld.idx.msk [tilespmem:v12+s24+$0x0], $0xffff  }
0x10d: {  	v63 =	vadd.s32 v7, v10;
	_ =	sdelay $0x2  }
0x10e: {  	s0 =	sadd.s32 $0x14000, s0  }
0x10f: {  	[tilespmem:s0+$0x10] =	vst v11  }
0x110: {  	v11 =	vld.idx.msk [tilespmem:v63+s24+$0x0], $0xffff  }
0x111: {  	v10 =	vadd.s32 v8, v10;
	_ =	sdelay $0x3  }
0x112: {  	[tilespmem:s0+$0x20] =	vst v11  }
0x113: {  	v10 =	vld.idx.msk [tilespmem:v10+s24+$0x0], $0xffff;
	_ =	sdelay $0x4  }
0x114: {  	[tilespmem:s0+$0x30] =	vst v10  }
.LBB2_21:
0x115: {  	p0 =	slt.s32 s31, $0x10  }
0x116: {  	s0 =	sshra.s32 @!p0 s29, $0x1F  }
0x117: {  	s0 =	sshrl.u32 @!p0 s0, $0x1C  }
0x118: {  	s0 =	sadd.s32 @!p0 s0, s29  }
0x119: {  	s0 =	sand.u32 @!p0 $0x7FFF0, s0  }
0x11a: {  	s0 =	ssub.s32 @!p0 s29, s0  }
0x11b: {  	s0 =	sshll.u32 @!p0 s0, $0xD  }
0x11c: {  	s0 =	sshra.s32 @!p0 s0, $0x2  }
0x11d: {  	s3 =	simm.s32 @!p0 $0x10;
	s5 =	simm.s32 @!p0 $0x1C080;
	s0 =	sadd.s32 @!p0 $0x14000, s0  }
0x11e: {  	[hbm4b:s8+s3] =	stream.indirect.scatter @!p0 [tilespmem:s0], [sflag:$0x2], $0x80, s5, s3, $0xb8;
	[tilespmem:$0x1C180] =	vst v63  }
0x11f: {  	s0 =	simm.s32 @!p0 $0x2  }
0x120: {  	_ =	swait.ge @!p0 [sflag:s0], $0x800  }
0x121: {  	[sflag:s0] =	ssyncset.done @!p0 $0x0  }
0x122: {  	p1 =	sgt.s32 s31, $0xF;
	[sflag:s0] =	ssyncadd.s32 @!p0 $0xFFFFF800  }
0x123: {  	s6 =	sadd.s32 $0x1, s6;
	s3 =	simm.s32 $0x1;
	s0 =	sadd.s32 $0xFFFFFFF0, s31;
	v10 =	vld @!p0 [tilespmem:$0x1C100]  }
0x124: {  	s3 =	simm.s32 @!p1 $0x0;
	v11 =	vld @!p0 [tilespmem:$0x1C010];
	s31 =	smov.u32 @p1 s0;
	p1 =	sne.s32 s6, s30  }
.Ltmp15:
0x125: {  	_ = 	snop;
	(pc) =	sbr.rel @!p1 .LBB2_22-.Ltmp15, $3  }
0x126: {  	_ =	sdelay $0x1  }
0x127: {  	[tilespmem:$0x1C080] =	vst @!p0 v10  }
0x128: {  	s29 =	sadd.s32 s3, s29;
	s0 =	smov.u32 s31;
	[tilespmem:$0x1C000] =	vst @!p0 v11  }
.LBB2_7:
0x129: {  	s3 =	sshll.u32 s6, $0x4  }
0x12a: {  	v10 =	vld [tilespmem:s3+$0x4000];
	_ =	sdelay $0x4  }
0x12b: {  	v12 =	vor.u32 s3, v4;
	v11 =	vand.u32 $0xFFFFFFC0, v10  }
0x12c: {  	vm1 =	vlt.s32 v12, v9;
	vm0 =	veq.s32 v11, $0xF4200  }
0x12d: {  	vm0 =	vmand vm1, vm0  }
0x12e: {  	v11 =	vmpcnt.ones.xlane vm0;
	_ =	sdelay $0x1  }
0x12f: {  	(v2sf) =	vpush v11, $0x0;
	_ =	sdelay $0x5  }
0x130: {  	v11 =	vsel vm0, $0x1, v3  }
0x131: {  	(xrf0) =	vadd.scan.msk.s32 $0xffff, v11;
	_ =	sdelay $0x4  }
0x132: {  	v11 =	vsel vm0, $0xFFFFFFFF, v3  }
0x133: {  	v11 =	vadd.s32 s0, v11;
	v62, _, _ =	vpop (xrf0)  }
0x134: {  	v11 =	vadd.s32 v62, v11  }
0x135: {  	v63 =	vld [tilespmem:s3+$0x8000];
	v12 =	vshll.u32 v11, $0x3;
	s3 =	spop (v2sf)  }
0x136: {  	v13 =	vand.u32 $0xF, v11;
	v12 =	vand.u32 $0xFFFFFF80, v12;
	s31 =	sadd.s32 s0, s3  }
0x137: {  	v12 =	vor.u32 v13, v12;
	p0 =	sge.s32 s0, s31  }
.Ltmp16:
0x138: {  	_ = 	snop;
	(pc) =	sbr.rel @p0 .LBB2_21-.Ltmp16, $4  }
0x139: {  	_ = 	snop  }
0x13a: {  	v10 =	vadd.s32 $0xFFF0BE00, v10  }
0x13b: {  	[tilespmem:v11+s26+$0x0] =	vst.idx.msk vm0, v10  }
0x13c: {  	[tilespmem:v12+s28+$0x0] =	vst.idx.msk vm0, v63  }
0x13d: {  	p1 =	sne.s32 s3, $0x1  }
.Ltmp17:
0x13e: {  	_ = 	snop;
	(pc) =	sbr.rel @!p1 .LBB2_9-.Ltmp17, $2  }
0x13f: {  	_ =	sdelay $0x2  }
0x140: {  	s3 =	sadd.s32 $0xFFFFFFFF, s3;
	v10 =	vmov s0;
	p0 =	por $0x0, $0x0  }
0x141: {  	_ =	sdelay $0x3  }
0x142: {  	v10 =	vld.idx.msk [tilespmem:v10+s26+$0x0], $0xffff;
	_ =	sdelay $0x4  }
0x143: {  	v11 =	vshll.u32 v10, $0x3  }
0x144: {  	v10 =	vand.u32 $0x7F, v10;
	v11 =	vand.u32 $0xFFFFFC00, v11  }
0x145: {  	p0 =	sgt.s32 s0, $0xF;
	s5 =	simm.s32 $0x1;
	v10 =	vor.u32 v10, v11  }
0x146: {  	s5 =	simm.s32 @!p0 $0x0;
	v11 =	vadd.s32 v5, v10  }
0x147: {  	s5 =	sadd.s32 s5, s29  }
0x148: {  	s9 =	sshra.s32 s0, $0x1F;
	s7 =	sshra.s32 s5, $0x1F  }
0x149: {  	s9 =	sshrl.u32 s9, $0x1C;
	s7 =	sshrl.u32 s7, $0x1C  }
0x14a: {  	s9 =	sadd.s32 s9, s0;
	s7 =	sadd.s32 s7, s5  }
0x14b: {  	s9 =	sand.u32 $0x7FFFF0, s9;
	s7 =	sand.u32 $0x7FFF0, s7;
	v11 =	vld.idx.msk [tilespmem:v11+s24+$0x0], $0xffff  }
0x14c: {  	s22 =	ssub.s32 s0, s9;
	s5 =	ssub.s32 s5, s7;
	v12 =	vadd.s32 v6, v10  }
0x14d: {  	s7 =	sshll.u32 s22, $0x9;
	s5 =	sshll.u32 s5, $0xD  }
0x14e: {  	s7 =	sshra.s32 s7, $0x2;
	s5 =	sshra.s32 s5, $0x2  }
0x14f: {  	s5 =	sadd.s32 s7, s5  }
0x150: {  	[tilespmem:s5+$0x14000] =	vst v11  }
0x151: {  	v11 =	vld.idx.msk [tilespmem:v12+s24+$0x0], $0xffff  }
0x152: {  	v63 =	vadd.s32 v7, v10;
	_ =	sdelay $0x2  }
0x153: {  	s5 =	sadd.s32 $0x14000, s5  }
0x154: {  	[tilespmem:s5+$0x10] =	vst v11  }
0x155: {  	v11 =	vld.idx.msk [tilespmem:v63+s24+$0x0], $0xffff  }
0x156: {  	v10 =	vadd.s32 v8, v10;
	_ =	sdelay $0x3  }
0x157: {  	p1 =	sne.s32 s3, $0x1;
	[tilespmem:s5+$0x20] =	vst v11  }
.Ltmp18:
0x158: {  	s0 =	sadd.s32 $0x1, s0;
	v11 =	vld.idx.msk [tilespmem:v10+s24+$0x0], $0xffff;
	(pc) =	sbr.rel @!p1 .LBB2_20-.Ltmp18, $2  }
0x159: {  	v10 =	vmov s0;
	_ =	sdelay $0x2  }
0x15a: {  	s3 =	sadd.s32 $0xFFFFFFFF, s3;
	p0 =	por $0x1, $0x1  }
.LBB2_19:
0x15b: {  	p1 =	sne.s32 s3, $0x1;
	s3 =	sadd.s32 $0xFFFFFFFF, s3;
	[tilespmem:s5+$0x30] =	vst v11  }
0x15c: {  	v10 =	vld.idx.msk [tilespmem:v10+s26+$0x0], $0xffff;
	_ =	sdelay $0x5  }
0x15d: {  	v11 =	vshll.u32 v10, $0x3  }
0x15e: {  	v10 =	vand.u32 $0x7F, v10;
	v11 =	vand.u32 $0xFFFFFC00, v11  }
0x15f: {  	v10 =	vor.u32 v10, v11  }
0x160: {  	p2 =	sgt.s32 s0, $0xF;
	s5 =	simm.s32 $0x1;
	v11 =	vadd.s32 v5, v10  }
0x161: {  	s5 =	simm.s32 @!p2 $0x0  }
0x162: {  	s5 =	sadd.s32 s5, s29  }
0x163: {  	s9 =	sshra.s32 s0, $0x1F;
	s7 =	sshra.s32 s5, $0x1F  }
0x164: {  	s9 =	sshrl.u32 s9, $0x1C;
	s7 =	sshrl.u32 s7, $0x1C  }
0x165: {  	s9 =	sadd.s32 s9, s0;
	s7 =	sadd.s32 s7, s5;
	v11 =	vld.idx.msk [tilespmem:v11+s24+$0x0], $0xffff  }
0x166: {  	s9 =	sand.u32 $0x7FFFF0, s9;
	s7 =	sand.u32 $0x7FFF0, s7  }
0x167: {  	s5 =	ssub.s32 s5, s7;
	s7 =	ssub.s32 s0, s9;
	v12 =	vadd.s32 v6, v10  }
0x168: {  	s5 =	sshll.u32 s5, $0xD;
	s7 =	sshll.u32 s7, $0x9  }
0x169: {  	s5 =	sshra.s32 s5, $0x2;
	s7 =	sshra.s32 s7, $0x2  }
0x16a: {  	s5 =	sadd.s32 s7, s5  }
0x16b: {  	[tilespmem:s5+$0x14000] =	vst v11  }
0x16c: {  	v11 =	vld.idx.msk [tilespmem:v12+s24+$0x0], $0xffff;
	_ =	sdelay $0x1  }
0x16d: {  	v12 =	vadd.s32 v7, v10;
	_ =	sdelay $0x2  }
0x16e: {  	s5 =	sadd.s32 $0x14000, s5  }
0x16f: {  	[tilespmem:s5+$0x10] =	vst v11  }
0x170: {  	v11 =	vld.idx.msk [tilespmem:v12+s24+$0x0], $0xffff;
	_ =	sdelay $0x1  }
0x171: {  	v10 =	vadd.s32 v8, v10;
	_ =	sdelay $0x2  }
.Ltmp19:
0x172: {  	(pc) =	sbr.rel @p1 .LBB2_19-.Ltmp19, $4  }
0x173: {  	[tilespmem:s5+$0x20] =	vst v11  }
0x174: {  	v11 =	vld.idx.msk [tilespmem:v10+s24+$0x0], $0xffff  }
0x175: {  	s0 =	sadd.s32 $0x1, s0  }
0x176: {  	v10 =	vmov s0  }
.Ltmp20:
0x177: {  	_ = 	snop;
	(pc) =	sbr.rel .LBB2_20-.Ltmp20, $1  }
0x178: {  	_ =	sdelay $0x3  }
.LBB2_23:
0x179: {  	_ =	sfence.sel $0x180000  }
0x17a: {  	[bflag:$0x0] =	sbarrier.arrive $0xFFFF  }
0x17b: {  	_ =	strace $0x90000047  }
0x17c: {  	s0 =	stileid.u32;
	[bflag:$0x2] =	sbarrier.arrive $0xFFFF  }
0x17d: {  	p0 =	sne.s32 s0, $0x0;
	s0 =	rddreg [dreg:$0x4]  }
0x17e: {  	s0 =	sadd.s32 @!p0 $0x100000, s0  }
0x17f: {  	[sflag:s0] =	ssyncadd.tile.s32 @!p0 $0x1;
	_ =	shalt  }
.Lfunc_end2:
_tile_overlayer_lowered:
.L_overlay_start_2:
0x180: {  	(tag) =	ssettag $0x2  }
0x181: {  	s0 =	rddreg [dreg:$0x0];
	s2 =	stileid.u32  }
0x182: {  	s1 =	rddreg [dreg:$0x1];
	p0 =	sne.s32 s2, $0x0  }
0x183: {  	s3 =	rddreg [dreg:$0x2];
	[bflag:$0x3] =	sbarrier.arrive $0xFFFF;
	s2 =	simm.s32 @!p0 $0x1C03  }
0x184: {  	[timem:s3], [sflag:s2] =	dma.local @!p0 [hbm:s0], s1  }
0x185: {  	s0 =	simm.s32 @!p0 $0x3  }
0x186: {  	_ =	swait.ge @!p0 [sflag:s0], s1  }
0x187: {  	s1 =	ssub.s32 @!p0 $0x0, s1;
	[sflag:s0] =	ssyncset.done @!p0 $0x0  }
0x188: {  	[sflag:s0] =	ssyncadd.s32 @!p0 s1  }
0x189: {  	[bflag:$0x3] =	sbarrier.arrive $0xFFFF  }
0x18a: {  	_ =	shalt  }

</sc_bundles>
